<compile_context>
chip_gen: v7x
topology: tpu7x:2x2x1
jax: 0.10.2.dev20260603
libtpu: 0.0.44.dev20260713+nightly
codegen_flags: <defaults>
</compile_context>

<pallas_src>
import jax
import jax.numpy as jnp
from jax import lax
from jax.experimental import pallas as pl
from jax.experimental.pallas import tpu as pltpu
from jax.experimental.pallas import tpu_sc as plsc

_NUM_CORES = 2
_NUM_SUBCORES = 16
_NW = _NUM_CORES * _NUM_SUBCORES
_CHUNK = 128
_RING = 3


def _emb_body(table_hbm, idx_hbm, out_hbm, tshared, *rest):
    rbufs = rest[:_RING]
    ibufs = rest[_RING:2 * _RING]
    gsems = rest[2 * _RING:3 * _RING]
    ssems = rest[3 * _RING:4 * _RING]
    isems = rest[4 * _RING:5 * _RING]

    sid = lax.axis_index("s")
    wid = sid * _NUM_CORES + lax.axis_index("c")
    chunks_per_w = idx_hbm.shape[0] // _NW
    npair = chunks_per_w // 2
    chunk_base = wid * chunks_per_w

    @pl.when(sid == 0)
    def _():
        pltpu.sync_copy(table_hbm, tshared)
    plsc.subcore_barrier()

    def idxc(q, s):
        return pltpu.make_async_copy(
            idx_hbm.at[pl.ds(chunk_base + 2 * q, 2)], ibufs[s], isems[s])

    def gath(q, s, h):
        del q
        return pltpu.make_async_copy(
            tshared.at[ibufs[s].at[h]],
            rbufs[s].at[pl.ds(h * _CHUNK, _CHUNK)], gsems[s])

    def store(q, s):
        off = (chunk_base + 2 * q) * _CHUNK
        return pltpu.make_async_copy(
            rbufs[s], out_hbm.at[pl.ds(off, 2 * _CHUNK)], ssems[s])

    def step(q, s, wait_store=True, fire_ahead=True, guard_idx=False):
        sp = (s + 2) % _RING
        gath(q, s, 0).wait()
        gath(q, s, 1).wait()
        store(q, s).start()
        if wait_store:
            store(q - 1, sp).wait()
        if fire_ahead:
            idxc(q + 2, sp).wait()
            gath(q + 2, sp, 0).start()
            gath(q + 2, sp, 1).start()
            if guard_idx:
                @pl.when(q + 3 < npair)
                def _():
                    idxc(q + 3, s).start()
            else:
                idxc(q + 3, s).start()

    idxc(0, 0).start()
    idxc(1, 1).start()
    idxc(2, 2).start()
    idxc(0, 0).wait()
    gath(0, 0, 0).start()
    gath(0, 0, 1).start()
    idxc(1, 1).wait()
    gath(1, 1, 0).start()
    gath(1, 1, 1).start()
    step(0, 0, wait_store=False)
    step(1, 1)

    def body(m, carry):
        q = 3 * m + 2
        step(q, 2, guard_idx=True)
        step(q + 1, 0, guard_idx=True)
        step(q + 2, 1, guard_idx=True)
        return carry

    lax.fori_loop(0, (npair - 4) // 3, body, 0)

    step(npair - 2, (npair - 2) % _RING, fire_ahead=False)
    step(npair - 1, (npair - 1) % _RING, fire_ahead=False)
    store(npair - 1, (npair - 1) % _RING).wait()


def kernel(x, table):
    b, h = x.shape
    v, d = table.shape
    n = b * h
    idx = x.reshape(n // _CHUNK, _CHUNK).astype(jnp.int32)

    mesh = plsc.VectorSubcoreMesh(
        core_axis_name="c",
        subcore_axis_name="s",
        num_cores=_NUM_CORES,
        num_subcores=_NUM_SUBCORES,
    )
    k = pl.kernel(
        _emb_body,
        out_type=jax.ShapeDtypeStruct((n, d), table.dtype),
        mesh=mesh,
        scratch_types=(
            [pltpu.VMEM_SHARED((v, d), jnp.float32)]
            + [pltpu.VMEM((2 * _CHUNK, d), jnp.float32)] * _RING
            + [pltpu.VMEM((2, _CHUNK), jnp.int32)] * _RING
            + [pltpu.SemaphoreType.DMA] * (3 * _RING)
        ),
    )
    out = k(table, idx)
    return out.reshape(b, h, d)

# --- scband reference (transcript-rebuilt; emitter-appended) ---
"""Pipeline reference for scband-pokedex-embedding-30975304139103 (READ-ONLY COPY).

The authoritative reference and input builder live on the scoring server;
editing this copy changes nothing except your own understanding.
"""

import jax, jax.numpy as jnp
import numpy as np

NUM_EMBEDDINGS = 1000
EMBEDDING_DIM = 128
BATCH = 16384
HIST = 200


def setup_inputs(seed: int = 0) -> dict:
    key = jax.random.key(seed)
    k1, k2 = jax.random.split(key)
    x = jax.random.randint(k1, (BATCH, HIST), 0, NUM_EMBEDDINGS)
    # Pretrained (frozen) pokedex embedding table, materialized randomly here.
    table = jax.random.normal(k2, (NUM_EMBEDDINGS, EMBEDDING_DIM), dtype=jnp.float32)
    return {"x": x, "table": table}


def reference(x, table):
    # nn.Embedding forward == row gather from the table
    return jnp.take(table, x, axis=0)

if __name__ == "__main__":
    import jax
    _d = setup_inputs()
    print(jax.jit(kernel)(*tuple(_d.values())))

</pallas_src>

<mosaic_0001>
#map = affine_map<(d0, d1) -> (0, 0)>
module attributes {stable_mosaic.version = 14 : i64} {
  func.func @_emb_body(%arg0: i32, %arg1: i32, %arg2: memref<1000x128xf32, #tpu.memory_space<hbm>>, %arg3: memref<25600x128xi32, #tpu.memory_space<hbm>>, %arg4: memref<3276800x128xf32, #tpu.memory_space<hbm>>, %arg5: memref<1000x128xf32, #tpu.memory_space<vmem_shared>>, %arg6: memref<256x128xf32, #tpu.memory_space<vmem>>, %arg7: memref<256x128xf32, #tpu.memory_space<vmem>>, %arg8: memref<256x128xf32, #tpu.memory_space<vmem>>, %arg9: memref<2x128xi32, #tpu.memory_space<vmem>>, %arg10: memref<2x128xi32, #tpu.memory_space<vmem>>, %arg11: memref<2x128xi32, #tpu.memory_space<vmem>>, %arg12: memref<!tpu.dma_semaphore, #tpu.memory_space<semaphore_mem>>, %arg13: memref<!tpu.dma_semaphore, #tpu.memory_space<semaphore_mem>>, %arg14: memref<!tpu.dma_semaphore, #tpu.memory_space<semaphore_mem>>, %arg15: memref<!tpu.dma_semaphore, #tpu.memory_space<semaphore_mem>>, %arg16: memref<!tpu.dma_semaphore, #tpu.memory_space<semaphore_mem>>, %arg17: memref<!tpu.dma_semaphore, #tpu.memory_space<semaphore_mem>>, %arg18: memref<!tpu.dma_semaphore, #tpu.memory_space<semaphore_mem>>, %arg19: memref<!tpu.dma_semaphore, #tpu.memory_space<semaphore_mem>>, %arg20: memref<!tpu.dma_semaphore, #tpu.memory_space<semaphore_mem>>) attributes {dimension_semantics = [#tpu.dimension_semantics<core_parallel>, #tpu.dimension_semantics<subcore_parallel>], iteration_bounds = array<i64: 2, 16>, scalar_prefetch = 0 : i64, scratch_operands = 16 : i64, tpu.core_type = #tpu.core_type<sc_vector_subcore>, window_params = [{transform_indices = #map}, {transform_indices = #map}, {transform_indices = #map}]} {
    %mul3A = arith.constant 2 : i32
    %mul3A_0 = arith.muli %arg1, %mul3A : i32
    %add3A = arith.addi %mul3A_0, %arg0 : i32
    %mul3A_1 = arith.constant 800 : i32
    %mul3A_2 = arith.muli %add3A, %mul3A_1 : i32
    %eq3A = arith.constant 0 : i32
    %eq3A_3 = arith.cmpi eq, %arg1, %eq3A : i32
    %convert_element_type3A = arith.extui %eq3A_3 : i1 to i32
    %cond3A = arith.constant 0 : i32
    %cond3A_4 = arith.cmpi ne, %convert_element_type3A, %cond3A : i32
    scf.if %cond3A_4 {
      "tpu.region"() ({
        %run_scoped3A = tpu.sem_alloc : memref<!tpu.dma_semaphore, #tpu.memory_space<semaphore_mem>>
        tpu.enqueue_dma source(%arg2 : memref<1000x128xf32, #tpu.memory_space<hbm>>) target(%arg5 : memref<1000x128xf32, #tpu.memory_space<vmem_shared>>) target_semaphore(%run_scoped3A : memref<!tpu.dma_semaphore, #tpu.memory_space<semaphore_mem>>)
        tpu.wait_dma2 semaphore(%run_scoped3A : memref<!tpu.dma_semaphore, #tpu.memory_space<semaphore_mem>>) src(%arg2 : memref<1000x128xf32, #tpu.memory_space<hbm>>) dst(%arg5 : memref<1000x128xf32, #tpu.memory_space<vmem_shared>>)
        tpu.yield
      }) : () -> ()
    } else {
    }
    %barrier3A = arith.constant 0 : index
    tpu.barrier barrier_id(%barrier3A)
    %add3A_5 = arith.constant 0 : i32
    %add3A_6 = arith.addi %mul3A_2, %add3A_5 : i32
    %dma_start3A = arith.constant 0 : i32
    %dma_start3A_7 = tpu.memref_slice %arg3[%add3A_6, %dma_start3A] : memref<25600x128xi32, #tpu.memory_space<hbm>> -> memref<2x128xi32, #tpu.memory_space<hbm>>
    %dma_start3A_8 = arith.constant 0 : i32
    %dma_start3A_9 = tpu.memref_slice %arg3[%add3A_6, %dma_start3A_8] : memref<25600x128xi32, #tpu.memory_space<hbm>> -> memref<2x128xi32, #tpu.memory_space<hbm>>
    tpu.enqueue_dma source(%dma_start3A_9 : memref<2x128xi32, #tpu.memory_space<hbm>>) target(%arg9 : memref<2x128xi32, #tpu.memory_space<vmem>>) target_semaphore(%arg18 : memref<!tpu.dma_semaphore, #tpu.memory_space<semaphore_mem>>)
    %add3A_10 = arith.constant 2 : i32
    %add3A_11 = arith.addi %mul3A_2, %add3A_10 : i32
    %dma_start3A_12 = arith.constant 0 : i32
    %dma_start3A_13 = tpu.memref_slice %arg3[%add3A_11, %dma_start3A_12] : memref<25600x128xi32, #tpu.memory_space<hbm>> -> memref<2x128xi32, #tpu.memory_space<hbm>>
    %dma_start3A_14 = arith.constant 0 : i32
    %dma_start3A_15 = tpu.memref_slice %arg3[%add3A_11, %dma_start3A_14] : memref<25600x128xi32, #tpu.memory_space<hbm>> -> memref<2x128xi32, #tpu.memory_space<hbm>>
    tpu.enqueue_dma source(%dma_start3A_15 : memref<2x128xi32, #tpu.memory_space<hbm>>) target(%arg10 : memref<2x128xi32, #tpu.memory_space<vmem>>) target_semaphore(%arg19 : memref<!tpu.dma_semaphore, #tpu.memory_space<semaphore_mem>>)
    %add3A_16 = arith.constant 4 : i32
    %add3A_17 = arith.addi %mul3A_2, %add3A_16 : i32
    %dma_start3A_18 = arith.constant 0 : i32
    %dma_start3A_19 = tpu.memref_slice %arg3[%add3A_17, %dma_start3A_18] : memref<25600x128xi32, #tpu.memory_space<hbm>> -> memref<2x128xi32, #tpu.memory_space<hbm>>
    %dma_start3A_20 = arith.constant 0 : i32
    %dma_start3A_21 = tpu.memref_slice %arg3[%add3A_17, %dma_start3A_20] : memref<25600x128xi32, #tpu.memory_space<hbm>> -> memref<2x128xi32, #tpu.memory_space<hbm>>
    tpu.enqueue_dma source(%dma_start3A_21 : memref<2x128xi32, #tpu.memory_space<hbm>>) target(%arg11 : memref<2x128xi32, #tpu.memory_space<vmem>>) target_semaphore(%arg20 : memref<!tpu.dma_semaphore, #tpu.memory_space<semaphore_mem>>)
    %add3A_22 = arith.constant 0 : i32
    %add3A_23 = arith.addi %mul3A_2, %add3A_22 : i32
    %dma_wait3A = arith.constant 0 : i32
    %dma_wait3A_24 = tpu.memref_slice %arg3[%add3A_23, %dma_wait3A] : memref<25600x128xi32, #tpu.memory_space<hbm>> -> memref<2x128xi32, #tpu.memory_space<hbm>>
    %dma_wait3A_25 = arith.constant 0 : i32
    %dma_wait3A_26 = tpu.memref_slice %arg3[%add3A_23, %dma_wait3A_25] : memref<25600x128xi32, #tpu.memory_space<hbm>> -> memref<2x128xi32, #tpu.memory_space<hbm>>
    tpu.wait_dma2 semaphore(%arg18 : memref<!tpu.dma_semaphore, #tpu.memory_space<semaphore_mem>>) src(%dma_wait3A_26 : memref<2x128xi32, #tpu.memory_space<hbm>>) dst(%arg9 : memref<2x128xi32, #tpu.memory_space<vmem>>)
    %dma_start3A_27 = arith.constant 0 : i32
    %dma_start3A_28 = arith.constant 0 : i32
    %dma_start3A_29 = arith.constant 0 : i32
    %dma_start3A_30 = tpu.memref_slice %arg6[%dma_start3A_28, %dma_start3A_29] : memref<256x128xf32, #tpu.memory_space<vmem>> -> memref<128x128xf32, #tpu.memory_space<vmem>>
    %dma_start3A_31 = arith.constant 0 : i32
    %dma_start3A_32 = tpu.memref_slice %arg9[%dma_start3A_27, %dma_start3A_31] : memref<2x128xi32, #tpu.memory_space<vmem>> -> memref<1x128xi32, #tpu.memory_space<vmem>>
    %dma_start3A_33 = tpu.memref_squeeze %dma_start3A_32 : memref<1x128xi32, #tpu.memory_space<vmem>> -> memref<128xi32, #tpu.memory_space<vmem>>
    %dma_start3A_34 = arith.constant 0 : i32
    %dma_start3A_35 = arith.constant 0 : i32
    %dma_start3A_36 = tpu.memref_slice %arg5[%dma_start3A_34, %dma_start3A_35] : memref<1000x128xf32, #tpu.memory_space<vmem_shared>> -> memref<1000x128xf32, #tpu.memory_space<vmem_shared>>
    tpu.enqueue_indirect_dma source(%dma_start3A_36 : memref<1000x128xf32, #tpu.memory_space<vmem_shared>>) target(%dma_start3A_30 : memref<128x128xf32, #tpu.memory_space<vmem>>) offsets(%dma_start3A_33 : memref<128xi32, #tpu.memory_space<vmem>>) semaphore(%arg12 : memref<!tpu.dma_semaphore, #tpu.memory_space<semaphore_mem>>)
    %dma_start3A_37 = arith.constant 1 : i32
    %dma_start3A_38 = arith.constant 128 : i32
    %dma_start3A_39 = arith.constant 0 : i32
    %dma_start3A_40 = tpu.memref_slice %arg6[%dma_start3A_38, %dma_start3A_39] : memref<256x128xf32, #tpu.memory_space<vmem>> -> memref<128x128xf32, #tpu.memory_space<vmem>>
    %dma_start3A_41 = arith.constant 0 : i32
    %dma_start3A_42 = tpu.memref_slice %arg9[%dma_start3A_37, %dma_start3A_41] : memref<2x128xi32, #tpu.memory_space<vmem>> -> memref<1x128xi32, #tpu.memory_space<vmem>>
    %dma_start3A_43 = tpu.memref_squeeze %dma_start3A_42 : memref<1x128xi32, #tpu.memory_space<vmem>> -> memref<128xi32, #tpu.memory_space<vmem>>
    %dma_start3A_44 = arith.constant 0 : i32
    %dma_start3A_45 = arith.constant 0 : i32
    %dma_start3A_46 = tpu.memref_slice %arg5[%dma_start3A_44, %dma_start3A_45] : memref<1000x128xf32, #tpu.memory_space<vmem_shared>> -> memref<1000x128xf32, #tpu.memory_space<vmem_shared>>
    tpu.enqueue_indirect_dma source(%dma_start3A_46 : memref<1000x128xf32, #tpu.memory_space<vmem_shared>>) target(%dma_start3A_40 : memref<128x128xf32, #tpu.memory_space<vmem>>) offsets(%dma_start3A_43 : memref<128xi32, #tpu.memory_space<vmem>>) semaphore(%arg12 : memref<!tpu.dma_semaphore, #tpu.memory_space<semaphore_mem>>)
    %add3A_47 = arith.constant 2 : i32
    %add3A_48 = arith.addi %mul3A_2, %add3A_47 : i32
    %dma_wait3A_49 = arith.constant 0 : i32
    %dma_wait3A_50 = tpu.memref_slice %arg3[%add3A_48, %dma_wait3A_49] : memref<25600x128xi32, #tpu.memory_space<hbm>> -> memref<2x128xi32, #tpu.memory_space<hbm>>
    %dma_wait3A_51 = arith.constant 0 : i32
    %dma_wait3A_52 = tpu.memref_slice %arg3[%add3A_48, %dma_wait3A_51] : memref<25600x128xi32, #tpu.memory_space<hbm>> -> memref<2x128xi32, #tpu.memory_space<hbm>>
    tpu.wait_dma2 semaphore(%arg19 : memref<!tpu.dma_semaphore, #tpu.memory_space<semaphore_mem>>) src(%dma_wait3A_52 : memref<2x128xi32, #tpu.memory_space<hbm>>) dst(%arg10 : memref<2x128xi32, #tpu.memory_space<vmem>>)
    %dma_start3A_53 = arith.constant 0 : i32
    %dma_start3A_54 = arith.constant 0 : i32
    %dma_start3A_55 = arith.constant 0 : i32
    %dma_start3A_56 = tpu.memref_slice %arg7[%dma_start3A_54, %dma_start3A_55] : memref<256x128xf32, #tpu.memory_space<vmem>> -> memref<128x128xf32, #tpu.memory_space<vmem>>
    %dma_start3A_57 = arith.constant 0 : i32
    %dma_start3A_58 = tpu.memref_slice %arg10[%dma_start3A_53, %dma_start3A_57] : memref<2x128xi32, #tpu.memory_space<vmem>> -> memref<1x128xi32, #tpu.memory_space<vmem>>
    %dma_start3A_59 = tpu.memref_squeeze %dma_start3A_58 : memref<1x128xi32, #tpu.memory_space<vmem>> -> memref<128xi32, #tpu.memory_space<vmem>>
    %dma_start3A_60 = arith.constant 0 : i32
    %dma_start3A_61 = arith.constant 0 : i32
    %dma_start3A_62 = tpu.memref_slice %arg5[%dma_start3A_60, %dma_start3A_61] : memref<1000x128xf32, #tpu.memory_space<vmem_shared>> -> memref<1000x128xf32, #tpu.memory_space<vmem_shared>>
    tpu.enqueue_indirect_dma source(%dma_start3A_62 : memref<1000x128xf32, #tpu.memory_space<vmem_shared>>) target(%dma_start3A_56 : memref<128x128xf32, #tpu.memory_space<vmem>>) offsets(%dma_start3A_59 : memref<128xi32, #tpu.memory_space<vmem>>) semaphore(%arg13 : memref<!tpu.dma_semaphore, #tpu.memory_space<semaphore_mem>>)
    %dma_start3A_63 = arith.constant 1 : i32
    %dma_start3A_64 = arith.constant 128 : i32
    %dma_start3A_65 = arith.constant 0 : i32
    %dma_start3A_66 = tpu.memref_slice %arg7[%dma_start3A_64, %dma_start3A_65] : memref<256x128xf32, #tpu.memory_space<vmem>> -> memref<128x128xf32, #tpu.memory_space<vmem>>
    %dma_start3A_67 = arith.constant 0 : i32
    %dma_start3A_68 = tpu.memref_slice %arg10[%dma_start3A_63, %dma_start3A_67] : memref<2x128xi32, #tpu.memory_space<vmem>> -> memref<1x128xi32, #tpu.memory_space<vmem>>
    %dma_start3A_69 = tpu.memref_squeeze %dma_start3A_68 : memref<1x128xi32, #tpu.memory_space<vmem>> -> memref<128xi32, #tpu.memory_space<vmem>>
    %dma_start3A_70 = arith.constant 0 : i32
    %dma_start3A_71 = arith.constant 0 : i32
    %dma_start3A_72 = tpu.memref_slice %arg5[%dma_start3A_70, %dma_start3A_71] : memref<1000x128xf32, #tpu.memory_space<vmem_shared>> -> memref<1000x128xf32, #tpu.memory_space<vmem_shared>>
    tpu.enqueue_indirect_dma source(%dma_start3A_72 : memref<1000x128xf32, #tpu.memory_space<vmem_shared>>) target(%dma_start3A_66 : memref<128x128xf32, #tpu.memory_space<vmem>>) offsets(%dma_start3A_69 : memref<128xi32, #tpu.memory_space<vmem>>) semaphore(%arg13 : memref<!tpu.dma_semaphore, #tpu.memory_space<semaphore_mem>>)
    %dma_wait3A_73 = arith.constant 0 : i32
    %dma_wait3A_74 = arith.constant 0 : i32
    %dma_wait3A_75 = arith.constant 0 : i32
    %dma_wait3A_76 = tpu.memref_slice %arg6[%dma_wait3A_74, %dma_wait3A_75] : memref<256x128xf32, #tpu.memory_space<vmem>> -> memref<128x128xf32, #tpu.memory_space<vmem>>
    %dma_wait3A_77 = arith.constant 0 : i32
    %dma_wait3A_78 = tpu.memref_slice %arg9[%dma_wait3A_73, %dma_wait3A_77] : memref<2x128xi32, #tpu.memory_space<vmem>> -> memref<1x128xi32, #tpu.memory_space<vmem>>
    %dma_wait3A_79 = tpu.memref_squeeze %dma_wait3A_78 : memref<1x128xi32, #tpu.memory_space<vmem>> -> memref<128xi32, #tpu.memory_space<vmem>>
    %dma_wait3A_80 = arith.constant 0 : i32
    %dma_wait3A_81 = arith.constant 0 : i32
    %dma_wait3A_82 = tpu.memref_slice %arg5[%dma_wait3A_80, %dma_wait3A_81] : memref<1000x128xf32, #tpu.memory_space<vmem_shared>> -> memref<1000x128xf32, #tpu.memory_space<vmem_shared>>
    tpu.wait_indirect_dma semaphore(%arg12 : memref<!tpu.dma_semaphore, #tpu.memory_space<semaphore_mem>>) src(%dma_wait3A_82 : memref<1000x128xf32, #tpu.memory_space<vmem_shared>>) dst(%dma_wait3A_76 : memref<128x128xf32, #tpu.memory_space<vmem>>)
    %dma_wait3A_83 = arith.constant 1 : i32
    %dma_wait3A_84 = arith.constant 128 : i32
    %dma_wait3A_85 = arith.constant 0 : i32
    %dma_wait3A_86 = tpu.memref_slice %arg6[%dma_wait3A_84, %dma_wait3A_85] : memref<256x128xf32, #tpu.memory_space<vmem>> -> memref<128x128xf32, #tpu.memory_space<vmem>>
    %dma_wait3A_87 = arith.constant 0 : i32
    %dma_wait3A_88 = tpu.memref_slice %arg9[%dma_wait3A_83, %dma_wait3A_87] : memref<2x128xi32, #tpu.memory_space<vmem>> -> memref<1x128xi32, #tpu.memory_space<vmem>>
    %dma_wait3A_89 = tpu.memref_squeeze %dma_wait3A_88 : memref<1x128xi32, #tpu.memory_space<vmem>> -> memref<128xi32, #tpu.memory_space<vmem>>
    %dma_wait3A_90 = arith.constant 0 : i32
    %dma_wait3A_91 = arith.constant 0 : i32
    %dma_wait3A_92 = tpu.memref_slice %arg5[%dma_wait3A_90, %dma_wait3A_91] : memref<1000x128xf32, #tpu.memory_space<vmem_shared>> -> memref<1000x128xf32, #tpu.memory_space<vmem_shared>>
    tpu.wait_indirect_dma semaphore(%arg12 : memref<!tpu.dma_semaphore, #tpu.memory_space<semaphore_mem>>) src(%dma_wait3A_92 : memref<1000x128xf32, #tpu.memory_space<vmem_shared>>) dst(%dma_wait3A_86 : memref<128x128xf32, #tpu.memory_space<vmem>>)
    %add3A_93 = arith.constant 0 : i32
    %add3A_94 = arith.addi %mul3A_2, %add3A_93 : i32
    %mul3A_95 = arith.constant 128 : i32
    %mul3A_96 = arith.muli %add3A_94, %mul3A_95 : i32
    %dma_start3A_97 = arith.constant 0 : i32
    %dma_start3A_98 = tpu.memref_slice %arg4[%mul3A_96, %dma_start3A_97] : memref<3276800x128xf32, #tpu.memory_space<hbm>> -> memref<256x128xf32, #tpu.memory_space<hbm>>
    %dma_start3A_99 = arith.constant 0 : i32
    %dma_start3A_100 = tpu.memref_slice %arg4[%mul3A_96, %dma_start3A_99] : memref<3276800x128xf32, #tpu.memory_space<hbm>> -> memref<256x128xf32, #tpu.memory_space<hbm>>
    tpu.enqueue_dma source(%arg6 : memref<256x128xf32, #tpu.memory_space<vmem>>) target(%dma_start3A_100 : memref<256x128xf32, #tpu.memory_space<hbm>>) target_semaphore(%arg15 : memref<!tpu.dma_semaphore, #tpu.memory_space<semaphore_mem>>)
    %add3A_101 = arith.constant 4 : i32
    %add3A_102 = arith.addi %mul3A_2, %add3A_101 : i32
    %dma_wait3A_103 = arith.constant 0 : i32
    %dma_wait3A_104 = tpu.memref_slice %arg3[%add3A_102, %dma_wait3A_103] : memref<25600x128xi32, #tpu.memory_space<hbm>> -> memref<2x128xi32, #tpu.memory_space<hbm>>
    %dma_wait3A_105 = arith.constant 0 : i32
    %dma_wait3A_106 = tpu.memref_slice %arg3[%add3A_102, %dma_wait3A_105] : memref<25600x128xi32, #tpu.memory_space<hbm>> -> memref<2x128xi32, #tpu.memory_space<hbm>>
    tpu.wait_dma2 semaphore(%arg20 : memref<!tpu.dma_semaphore, #tpu.memory_space<semaphore_mem>>) src(%dma_wait3A_106 : memref<2x128xi32, #tpu.memory_space<hbm>>) dst(%arg11 : memref<2x128xi32, #tpu.memory_space<vmem>>)
    %dma_start3A_107 = arith.constant 0 : i32
    %dma_start3A_108 = arith.constant 0 : i32
    %dma_start3A_109 = arith.constant 0 : i32
    %dma_start3A_110 = tpu.memref_slice %arg8[%dma_start3A_108, %dma_start3A_109] : memref<256x128xf32, #tpu.memory_space<vmem>> -> memref<128x128xf32, #tpu.memory_space<vmem>>
    %dma_start3A_111 = arith.constant 0 : i32
    %dma_start3A_112 = tpu.memref_slice %arg11[%dma_start3A_107, %dma_start3A_111] : memref<2x128xi32, #tpu.memory_space<vmem>> -> memref<1x128xi32, #tpu.memory_space<vmem>>
    %dma_start3A_113 = tpu.memref_squeeze %dma_start3A_112 : memref<1x128xi32, #tpu.memory_space<vmem>> -> memref<128xi32, #tpu.memory_space<vmem>>
    %dma_start3A_114 = arith.constant 0 : i32
    %dma_start3A_115 = arith.constant 0 : i32
    %dma_start3A_116 = tpu.memref_slice %arg5[%dma_start3A_114, %dma_start3A_115] : memref<1000x128xf32, #tpu.memory_space<vmem_shared>> -> memref<1000x128xf32, #tpu.memory_space<vmem_shared>>
    tpu.enqueue_indirect_dma source(%dma_start3A_116 : memref<1000x128xf32, #tpu.memory_space<vmem_shared>>) target(%dma_start3A_110 : memref<128x128xf32, #tpu.memory_space<vmem>>) offsets(%dma_start3A_113 : memref<128xi32, #tpu.memory_space<vmem>>) semaphore(%arg14 : memref<!tpu.dma_semaphore, #tpu.memory_space<semaphore_mem>>)
    %dma_start3A_117 = arith.constant 1 : i32
    %dma_start3A_118 = arith.constant 128 : i32
    %dma_start3A_119 = arith.constant 0 : i32
    %dma_start3A_120 = tpu.memref_slice %arg8[%dma_start3A_118, %dma_start3A_119] : memref<256x128xf32, #tpu.memory_space<vmem>> -> memref<128x128xf32, #tpu.memory_space<vmem>>
    %dma_start3A_121 = arith.constant 0 : i32
    %dma_start3A_122 = tpu.memref_slice %arg11[%dma_start3A_117, %dma_start3A_121] : memref<2x128xi32, #tpu.memory_space<vmem>> -> memref<1x128xi32, #tpu.memory_space<vmem>>
    %dma_start3A_123 = tpu.memref_squeeze %dma_start3A_122 : memref<1x128xi32, #tpu.memory_space<vmem>> -> memref<128xi32, #tpu.memory_space<vmem>>
    %dma_start3A_124 = arith.constant 0 : i32
    %dma_start3A_125 = arith.constant 0 : i32
    %dma_start3A_126 = tpu.memref_slice %arg5[%dma_start3A_124, %dma_start3A_125] : memref<1000x128xf32, #tpu.memory_space<vmem_shared>> -> memref<1000x128xf32, #tpu.memory_space<vmem_shared>>
    tpu.enqueue_indirect_dma source(%dma_start3A_126 : memref<1000x128xf32, #tpu.memory_space<vmem_shared>>) target(%dma_start3A_120 : memref<128x128xf32, #tpu.memory_space<vmem>>) offsets(%dma_start3A_123 : memref<128xi32, #tpu.memory_space<vmem>>) semaphore(%arg14 : memref<!tpu.dma_semaphore, #tpu.memory_space<semaphore_mem>>)
    %add3A_127 = arith.constant 6 : i32
    %add3A_128 = arith.addi %mul3A_2, %add3A_127 : i32
    %dma_start3A_129 = arith.constant 0 : i32
    %dma_start3A_130 = tpu.memref_slice %arg3[%add3A_128, %dma_start3A_129] : memref<25600x128xi32, #tpu.memory_space<hbm>> -> memref<2x128xi32, #tpu.memory_space<hbm>>
    %dma_start3A_131 = arith.constant 0 : i32
    %dma_start3A_132 = tpu.memref_slice %arg3[%add3A_128, %dma_start3A_131] : memref<25600x128xi32, #tpu.memory_space<hbm>> -> memref<2x128xi32, #tpu.memory_space<hbm>>
    tpu.enqueue_dma source(%dma_start3A_132 : memref<2x128xi32, #tpu.memory_space<hbm>>) target(%arg9 : memref<2x128xi32, #tpu.memory_space<vmem>>) target_semaphore(%arg18 : memref<!tpu.dma_semaphore, #tpu.memory_space<semaphore_mem>>)
    %dma_wait3A_133 = arith.constant 0 : i32
    %dma_wait3A_134 = arith.constant 0 : i32
    %dma_wait3A_135 = arith.constant 0 : i32
    %dma_wait3A_136 = tpu.memref_slice %arg7[%dma_wait3A_134, %dma_wait3A_135] : memref<256x128xf32, #tpu.memory_space<vmem>> -> memref<128x128xf32, #tpu.memory_space<vmem>>
    %dma_wait3A_137 = arith.constant 0 : i32
    %dma_wait3A_138 = tpu.memref_slice %arg10[%dma_wait3A_133, %dma_wait3A_137] : memref<2x128xi32, #tpu.memory_space<vmem>> -> memref<1x128xi32, #tpu.memory_space<vmem>>
    %dma_wait3A_139 = tpu.memref_squeeze %dma_wait3A_138 : memref<1x128xi32, #tpu.memory_space<vmem>> -> memref<128xi32, #tpu.memory_space<vmem>>
    %dma_wait3A_140 = arith.constant 0 : i32
    %dma_wait3A_141 = arith.constant 0 : i32
    %dma_wait3A_142 = tpu.memref_slice %arg5[%dma_wait3A_140, %dma_wait3A_141] : memref<1000x128xf32, #tpu.memory_space<vmem_shared>> -> memref<1000x128xf32, #tpu.memory_space<vmem_shared>>
    tpu.wait_indirect_dma semaphore(%arg13 : memref<!tpu.dma_semaphore, #tpu.memory_space<semaphore_mem>>) src(%dma_wait3A_142 : memref<1000x128xf32, #tpu.memory_space<vmem_shared>>) dst(%dma_wait3A_136 : memref<128x128xf32, #tpu.memory_space<vmem>>)
    %dma_wait3A_143 = arith.constant 1 : i32
    %dma_wait3A_144 = arith.constant 128 : i32
    %dma_wait3A_145 = arith.constant 0 : i32
    %dma_wait3A_146 = tpu.memref_slice %arg7[%dma_wait3A_144, %dma_wait3A_145] : memref<256x128xf32, #tpu.memory_space<vmem>> -> memref<128x128xf32, #tpu.memory_space<vmem>>
    %dma_wait3A_147 = arith.constant 0 : i32
    %dma_wait3A_148 = tpu.memref_slice %arg10[%dma_wait3A_143, %dma_wait3A_147] : memref<2x128xi32, #tpu.memory_space<vmem>> -> memref<1x128xi32, #tpu.memory_space<vmem>>
    %dma_wait3A_149 = tpu.memref_squeeze %dma_wait3A_148 : memref<1x128xi32, #tpu.memory_space<vmem>> -> memref<128xi32, #tpu.memory_space<vmem>>
    %dma_wait3A_150 = arith.constant 0 : i32
    %dma_wait3A_151 = arith.constant 0 : i32
    %dma_wait3A_152 = tpu.memref_slice %arg5[%dma_wait3A_150, %dma_wait3A_151] : memref<1000x128xf32, #tpu.memory_space<vmem_shared>> -> memref<1000x128xf32, #tpu.memory_space<vmem_shared>>
    tpu.wait_indirect_dma semaphore(%arg13 : memref<!tpu.dma_semaphore, #tpu.memory_space<semaphore_mem>>) src(%dma_wait3A_152 : memref<1000x128xf32, #tpu.memory_space<vmem_shared>>) dst(%dma_wait3A_146 : memref<128x128xf32, #tpu.memory_space<vmem>>)
    %add3A_153 = arith.constant 2 : i32
    %add3A_154 = arith.addi %mul3A_2, %add3A_153 : i32
    %mul3A_155 = arith.constant 128 : i32
    %mul3A_156 = arith.muli %add3A_154, %mul3A_155 : i32
    %dma_start3A_157 = arith.constant 0 : i32
    %dma_start3A_158 = tpu.memref_slice %arg4[%mul3A_156, %dma_start3A_157] : memref<3276800x128xf32, #tpu.memory_space<hbm>> -> memref<256x128xf32, #tpu.memory_space<hbm>>
    %dma_start3A_159 = arith.constant 0 : i32
    %dma_start3A_160 = tpu.memref_slice %arg4[%mul3A_156, %dma_start3A_159] : memref<3276800x128xf32, #tpu.memory_space<hbm>> -> memref<256x128xf32, #tpu.memory_space<hbm>>
    tpu.enqueue_dma source(%arg7 : memref<256x128xf32, #tpu.memory_space<vmem>>) target(%dma_start3A_160 : memref<256x128xf32, #tpu.memory_space<hbm>>) target_semaphore(%arg16 : memref<!tpu.dma_semaphore, #tpu.memory_space<semaphore_mem>>)
    %add3A_161 = arith.constant 0 : i32
    %add3A_162 = arith.addi %mul3A_2, %add3A_161 : i32
    %mul3A_163 = arith.constant 128 : i32
    %mul3A_164 = arith.muli %add3A_162, %mul3A_163 : i32
    %dma_wait3A_165 = arith.constant 0 : i32
    %dma_wait3A_166 = tpu.memref_slice %arg4[%mul3A_164, %dma_wait3A_165] : memref<3276800x128xf32, #tpu.memory_space<hbm>> -> memref<256x128xf32, #tpu.memory_space<hbm>>
    %dma_wait3A_167 = arith.constant 0 : i32
    %dma_wait3A_168 = tpu.memref_slice %arg4[%mul3A_164, %dma_wait3A_167] : memref<3276800x128xf32, #tpu.memory_space<hbm>> -> memref<256x128xf32, #tpu.memory_space<hbm>>
    tpu.wait_dma2 semaphore(%arg15 : memref<!tpu.dma_semaphore, #tpu.memory_space<semaphore_mem>>) src(%arg6 : memref<256x128xf32, #tpu.memory_space<vmem>>) dst(%dma_wait3A_168 : memref<256x128xf32, #tpu.memory_space<hbm>>)
    %add3A_169 = arith.constant 6 : i32
    %add3A_170 = arith.addi %mul3A_2, %add3A_169 : i32
    %dma_wait3A_171 = arith.constant 0 : i32
    %dma_wait3A_172 = tpu.memref_slice %arg3[%add3A_170, %dma_wait3A_171] : memref<25600x128xi32, #tpu.memory_space<hbm>> -> memref<2x128xi32, #tpu.memory_space<hbm>>
    %dma_wait3A_173 = arith.constant 0 : i32
    %dma_wait3A_174 = tpu.memref_slice %arg3[%add3A_170, %dma_wait3A_173] : memref<25600x128xi32, #tpu.memory_space<hbm>> -> memref<2x128xi32, #tpu.memory_space<hbm>>
    tpu.wait_dma2 semaphore(%arg18 : memref<!tpu.dma_semaphore, #tpu.memory_space<semaphore_mem>>) src(%dma_wait3A_174 : memref<2x128xi32, #tpu.memory_space<hbm>>) dst(%arg9 : memref<2x128xi32, #tpu.memory_space<vmem>>)
    %dma_start3A_175 = arith.constant 0 : i32
    %dma_start3A_176 = arith.constant 0 : i32
    %dma_start3A_177 = arith.constant 0 : i32
    %dma_start3A_178 = tpu.memref_slice %arg6[%dma_start3A_176, %dma_start3A_177] : memref<256x128xf32, #tpu.memory_space<vmem>> -> memref<128x128xf32, #tpu.memory_space<vmem>>
    %dma_start3A_179 = arith.constant 0 : i32
    %dma_start3A_180 = tpu.memref_slice %arg9[%dma_start3A_175, %dma_start3A_179] : memref<2x128xi32, #tpu.memory_space<vmem>> -> memref<1x128xi32, #tpu.memory_space<vmem>>
    %dma_start3A_181 = tpu.memref_squeeze %dma_start3A_180 : memref<1x128xi32, #tpu.memory_space<vmem>> -> memref<128xi32, #tpu.memory_space<vmem>>
    %dma_start3A_182 = arith.constant 0 : i32
    %dma_start3A_183 = arith.constant 0 : i32
    %dma_start3A_184 = tpu.memref_slice %arg5[%dma_start3A_182, %dma_start3A_183] : memref<1000x128xf32, #tpu.memory_space<vmem_shared>> -> memref<1000x128xf32, #tpu.memory_space<vmem_shared>>
    tpu.enqueue_indirect_dma source(%dma_start3A_184 : memref<1000x128xf32, #tpu.memory_space<vmem_shared>>) target(%dma_start3A_178 : memref<128x128xf32, #tpu.memory_space<vmem>>) offsets(%dma_start3A_181 : memref<128xi32, #tpu.memory_space<vmem>>) semaphore(%arg12 : memref<!tpu.dma_semaphore, #tpu.memory_space<semaphore_mem>>)
    %dma_start3A_185 = arith.constant 1 : i32
    %dma_start3A_186 = arith.constant 128 : i32
    %dma_start3A_187 = arith.constant 0 : i32
    %dma_start3A_188 = tpu.memref_slice %arg6[%dma_start3A_186, %dma_start3A_187] : memref<256x128xf32, #tpu.memory_space<vmem>> -> memref<128x128xf32, #tpu.memory_space<vmem>>
    %dma_start3A_189 = arith.constant 0 : i32
    %dma_start3A_190 = tpu.memref_slice %arg9[%dma_start3A_185, %dma_start3A_189] : memref<2x128xi32, #tpu.memory_space<vmem>> -> memref<1x128xi32, #tpu.memory_space<vmem>>
    %dma_start3A_191 = tpu.memref_squeeze %dma_start3A_190 : memref<1x128xi32, #tpu.memory_space<vmem>> -> memref<128xi32, #tpu.memory_space<vmem>>
    %dma_start3A_192 = arith.constant 0 : i32
    %dma_start3A_193 = arith.constant 0 : i32
    %dma_start3A_194 = tpu.memref_slice %arg5[%dma_start3A_192, %dma_start3A_193] : memref<1000x128xf32, #tpu.memory_space<vmem_shared>> -> memref<1000x128xf32, #tpu.memory_space<vmem_shared>>
    tpu.enqueue_indirect_dma source(%dma_start3A_194 : memref<1000x128xf32, #tpu.memory_space<vmem_shared>>) target(%dma_start3A_188 : memref<128x128xf32, #tpu.memory_space<vmem>>) offsets(%dma_start3A_191 : memref<128xi32, #tpu.memory_space<vmem>>) semaphore(%arg12 : memref<!tpu.dma_semaphore, #tpu.memory_space<semaphore_mem>>)
    %add3A_195 = arith.constant 8 : i32
    %add3A_196 = arith.addi %mul3A_2, %add3A_195 : i32
    %dma_start3A_197 = arith.constant 0 : i32
    %dma_start3A_198 = tpu.memref_slice %arg3[%add3A_196, %dma_start3A_197] : memref<25600x128xi32, #tpu.memory_space<hbm>> -> memref<2x128xi32, #tpu.memory_space<hbm>>
    %dma_start3A_199 = arith.constant 0 : i32
    %dma_start3A_200 = tpu.memref_slice %arg3[%add3A_196, %dma_start3A_199] : memref<25600x128xi32, #tpu.memory_space<hbm>> -> memref<2x128xi32, #tpu.memory_space<hbm>>
    tpu.enqueue_dma source(%dma_start3A_200 : memref<2x128xi32, #tpu.memory_space<hbm>>) target(%arg10 : memref<2x128xi32, #tpu.memory_space<vmem>>) target_semaphore(%arg19 : memref<!tpu.dma_semaphore, #tpu.memory_space<semaphore_mem>>)
    %scan3A = arith.constant 0 : i32
    %scan3A_201 = arith.constant 0 : i32
    %scan3A_202 = arith.constant 132 : i32
    %scan3A_203 = arith.addi %scan3A_201, %scan3A_202 : i32
    %scan3A_204 = arith.constant 1 : i32
    scf.for %scan3A_286 = %scan3A_201 to %scan3A_203 step %scan3A_204  : i32 {
      %mul3A_287 = arith.constant 3 : i32
      %mul3A_288 = arith.muli %mul3A_287, %scan3A_286 : i32
      %add3A_289 = arith.constant 2 : i32
      %add3A_290 = arith.addi %mul3A_288, %add3A_289 : i32
      %dma_wait3A_291 = arith.constant 0 : i32
      %dma_wait3A_292 = arith.constant 0 : i32
      %dma_wait3A_293 = arith.constant 0 : i32
      %dma_wait3A_294 = tpu.memref_slice %arg8[%dma_wait3A_292, %dma_wait3A_293] : memref<256x128xf32, #tpu.memory_space<vmem>> -> memref<128x128xf32, #tpu.memory_space<vmem>>
      %dma_wait3A_295 = arith.constant 0 : i32
      %dma_wait3A_296 = tpu.memref_slice %arg11[%dma_wait3A_291, %dma_wait3A_295] : memref<2x128xi32, #tpu.memory_space<vmem>> -> memref<1x128xi32, #tpu.memory_space<vmem>>
      %dma_wait3A_297 = tpu.memref_squeeze %dma_wait3A_296 : memref<1x128xi32, #tpu.memory_space<vmem>> -> memref<128xi32, #tpu.memory_space<vmem>>
      %dma_wait3A_298 = arith.constant 0 : i32
      %dma_wait3A_299 = arith.constant 0 : i32
      %dma_wait3A_300 = tpu.memref_slice %arg5[%dma_wait3A_298, %dma_wait3A_299] : memref<1000x128xf32, #tpu.memory_space<vmem_shared>> -> memref<1000x128xf32, #tpu.memory_space<vmem_shared>>
      tpu.wait_indirect_dma semaphore(%arg14 : memref<!tpu.dma_semaphore, #tpu.memory_space<semaphore_mem>>) src(%dma_wait3A_300 : memref<1000x128xf32, #tpu.memory_space<vmem_shared>>) dst(%dma_wait3A_294 : memref<128x128xf32, #tpu.memory_space<vmem>>)
      %dma_wait3A_301 = arith.constant 1 : i32
      %dma_wait3A_302 = arith.constant 128 : i32
      %dma_wait3A_303 = arith.constant 0 : i32
      %dma_wait3A_304 = tpu.memref_slice %arg8[%dma_wait3A_302, %dma_wait3A_303] : memref<256x128xf32, #tpu.memory_space<vmem>> -> memref<128x128xf32, #tpu.memory_space<vmem>>
      %dma_wait3A_305 = arith.constant 0 : i32
      %dma_wait3A_306 = tpu.memref_slice %arg11[%dma_wait3A_301, %dma_wait3A_305] : memref<2x128xi32, #tpu.memory_space<vmem>> -> memref<1x128xi32, #tpu.memory_space<vmem>>
      %dma_wait3A_307 = tpu.memref_squeeze %dma_wait3A_306 : memref<1x128xi32, #tpu.memory_space<vmem>> -> memref<128xi32, #tpu.memory_space<vmem>>
      %dma_wait3A_308 = arith.constant 0 : i32
      %dma_wait3A_309 = arith.constant 0 : i32
      %dma_wait3A_310 = tpu.memref_slice %arg5[%dma_wait3A_308, %dma_wait3A_309] : memref<1000x128xf32, #tpu.memory_space<vmem_shared>> -> memref<1000x128xf32, #tpu.memory_space<vmem_shared>>
      tpu.wait_indirect_dma semaphore(%arg14 : memref<!tpu.dma_semaphore, #tpu.memory_space<semaphore_mem>>) src(%dma_wait3A_310 : memref<1000x128xf32, #tpu.memory_space<vmem_shared>>) dst(%dma_wait3A_304 : memref<128x128xf32, #tpu.memory_space<vmem>>)
      %mul3A_311 = arith.constant 2 : i32
      %mul3A_312 = arith.muli %mul3A_311, %add3A_290 : i32
      %add3A_313 = arith.addi %mul3A_2, %mul3A_312 : i32
      %mul3A_314 = arith.constant 128 : i32
      %mul3A_315 = arith.muli %add3A_313, %mul3A_314 : i32
      %dma_start3A_316 = arith.constant 0 : i32
      %dma_start3A_317 = tpu.memref_slice %arg4[%mul3A_315, %dma_start3A_316] : memref<3276800x128xf32, #tpu.memory_space<hbm>> -> memref<256x128xf32, #tpu.memory_space<hbm>>
      %dma_start3A_318 = arith.constant 0 : i32
      %dma_start3A_319 = tpu.memref_slice %arg4[%mul3A_315, %dma_start3A_318] : memref<3276800x128xf32, #tpu.memory_space<hbm>> -> memref<256x128xf32, #tpu.memory_space<hbm>>
      tpu.enqueue_dma source(%arg8 : memref<256x128xf32, #tpu.memory_space<vmem>>) target(%dma_start3A_319 : memref<256x128xf32, #tpu.memory_space<hbm>>) target_semaphore(%arg17 : memref<!tpu.dma_semaphore, #tpu.memory_space<semaphore_mem>>)
      %sub3A = arith.constant 1 : i32
      %sub3A_320 = arith.subi %add3A_290, %sub3A : i32
      %mul3A_321 = arith.constant 2 : i32
      %mul3A_322 = arith.muli %mul3A_321, %sub3A_320 : i32
      %add3A_323 = arith.addi %mul3A_2, %mul3A_322 : i32
      %mul3A_324 = arith.constant 128 : i32
      %mul3A_325 = arith.muli %add3A_323, %mul3A_324 : i32
      %dma_wait3A_326 = arith.constant 0 : i32
      %dma_wait3A_327 = tpu.memref_slice %arg4[%mul3A_325, %dma_wait3A_326] : memref<3276800x128xf32, #tpu.memory_space<hbm>> -> memref<256x128xf32, #tpu.memory_space<hbm>>
      %dma_wait3A_328 = arith.constant 0 : i32
      %dma_wait3A_329 = tpu.memref_slice %arg4[%mul3A_325, %dma_wait3A_328] : memref<3276800x128xf32, #tpu.memory_space<hbm>> -> memref<256x128xf32, #tpu.memory_space<hbm>>
      tpu.wait_dma2 semaphore(%arg16 : memref<!tpu.dma_semaphore, #tpu.memory_space<semaphore_mem>>) src(%arg7 : memref<256x128xf32, #tpu.memory_space<vmem>>) dst(%dma_wait3A_329 : memref<256x128xf32, #tpu.memory_space<hbm>>)
      %add3A_330 = arith.constant 2 : i32
      %add3A_331 = arith.addi %add3A_290, %add3A_330 : i32
      %mul3A_332 = arith.constant 2 : i32
      %mul3A_333 = arith.muli %mul3A_332, %add3A_331 : i32
      %add3A_334 = arith.addi %mul3A_2, %mul3A_333 : i32
      %dma_wait3A_335 = arith.constant 0 : i32
      %dma_wait3A_336 = tpu.memref_slice %arg3[%add3A_334, %dma_wait3A_335] : memref<25600x128xi32, #tpu.memory_space<hbm>> -> memref<2x128xi32, #tpu.memory_space<hbm>>
      %dma_wait3A_337 = arith.constant 0 : i32
      %dma_wait3A_338 = tpu.memref_slice %arg3[%add3A_334, %dma_wait3A_337] : memref<25600x128xi32, #tpu.memory_space<hbm>> -> memref<2x128xi32, #tpu.memory_space<hbm>>
      tpu.wait_dma2 semaphore(%arg19 : memref<!tpu.dma_semaphore, #tpu.memory_space<semaphore_mem>>) src(%dma_wait3A_338 : memref<2x128xi32, #tpu.memory_space<hbm>>) dst(%arg10 : memref<2x128xi32, #tpu.memory_space<vmem>>)
      %add3A_339 = arith.constant 2 : i32
      %add3A_340 = arith.addi %add3A_290, %add3A_339 : i32
      %dma_start3A_341 = arith.constant 0 : i32
      %dma_start3A_342 = arith.constant 0 : i32
      %dma_start3A_343 = arith.constant 0 : i32
      %dma_start3A_344 = tpu.memref_slice %arg7[%dma_start3A_342, %dma_start3A_343] : memref<256x128xf32, #tpu.memory_space<vmem>> -> memref<128x128xf32, #tpu.memory_space<vmem>>
      %dma_start3A_345 = arith.constant 0 : i32
      %dma_start3A_346 = tpu.memref_slice %arg10[%dma_start3A_341, %dma_start3A_345] : memref<2x128xi32, #tpu.memory_space<vmem>> -> memref<1x128xi32, #tpu.memory_space<vmem>>
      %dma_start3A_347 = tpu.memref_squeeze %dma_start3A_346 : memref<1x128xi32, #tpu.memory_space<vmem>> -> memref<128xi32, #tpu.memory_space<vmem>>
      %dma_start3A_348 = arith.constant 0 : i32
      %dma_start3A_349 = arith.constant 0 : i32
      %dma_start3A_350 = tpu.memref_slice %arg5[%dma_start3A_348, %dma_start3A_349] : memref<1000x128xf32, #tpu.memory_space<vmem_shared>> -> memref<1000x128xf32, #tpu.memory_space<vmem_shared>>
      tpu.enqueue_indirect_dma source(%dma_start3A_350 : memref<1000x128xf32, #tpu.memory_space<vmem_shared>>) target(%dma_start3A_344 : memref<128x128xf32, #tpu.memory_space<vmem>>) offsets(%dma_start3A_347 : memref<128xi32, #tpu.memory_space<vmem>>) semaphore(%arg13 : memref<!tpu.dma_semaphore, #tpu.memory_space<semaphore_mem>>)
      %add3A_351 = arith.constant 2 : i32
      %add3A_352 = arith.addi %add3A_290, %add3A_351 : i32
      %dma_start3A_353 = arith.constant 1 : i32
      %dma_start3A_354 = arith.constant 128 : i32
      %dma_start3A_355 = arith.constant 0 : i32
      %dma_start3A_356 = tpu.memref_slice %arg7[%dma_start3A_354, %dma_start3A_355] : memref<256x128xf32, #tpu.memory_space<vmem>> -> memref<128x128xf32, #tpu.memory_space<vmem>>
      %dma_start3A_357 = arith.constant 0 : i32
      %dma_start3A_358 = tpu.memref_slice %arg10[%dma_start3A_353, %dma_start3A_357] : memref<2x128xi32, #tpu.memory_space<vmem>> -> memref<1x128xi32, #tpu.memory_space<vmem>>
      %dma_start3A_359 = tpu.memref_squeeze %dma_start3A_358 : memref<1x128xi32, #tpu.memory_space<vmem>> -> memref<128xi32, #tpu.memory_space<vmem>>
      %dma_start3A_360 = arith.constant 0 : i32
      %dma_start3A_361 = arith.constant 0 : i32
      %dma_start3A_362 = tpu.memref_slice %arg5[%dma_start3A_360, %dma_start3A_361] : memref<1000x128xf32, #tpu.memory_space<vmem_shared>> -> memref<1000x128xf32, #tpu.memory_space<vmem_shared>>
      tpu.enqueue_indirect_dma source(%dma_start3A_362 : memref<1000x128xf32, #tpu.memory_space<vmem_shared>>) target(%dma_start3A_356 : memref<128x128xf32, #tpu.memory_space<vmem>>) offsets(%dma_start3A_359 : memref<128xi32, #tpu.memory_space<vmem>>) semaphore(%arg13 : memref<!tpu.dma_semaphore, #tpu.memory_space<semaphore_mem>>)
      %add3A_363 = arith.constant 3 : i32
      %add3A_364 = arith.addi %add3A_290, %add3A_363 : i32
      %lt3A = arith.constant 400 : i32
      %lt3A_365 = arith.cmpi slt, %add3A_364, %lt3A : i32
      %convert_element_type3A_366 = arith.extui %lt3A_365 : i1 to i32
      %cond3A_367 = arith.constant 0 : i32
      %cond3A_368 = arith.cmpi ne, %convert_element_type3A_366, %cond3A_367 : i32
      scf.if %cond3A_368 {
        %add3A_533 = arith.constant 3 : i32
        %add3A_534 = arith.addi %add3A_290, %add3A_533 : i32
        %mul3A_535 = arith.constant 2 : i32
        %mul3A_536 = arith.muli %mul3A_535, %add3A_534 : i32
        %add3A_537 = arith.addi %mul3A_2, %mul3A_536 : i32
        %dma_start3A_538 = arith.constant 0 : i32
        %dma_start3A_539 = tpu.memref_slice %arg3[%add3A_537, %dma_start3A_538] : memref<25600x128xi32, #tpu.memory_space<hbm>> -> memref<2x128xi32, #tpu.memory_space<hbm>>
        %dma_start3A_540 = arith.constant 0 : i32
        %dma_start3A_541 = tpu.memref_slice %arg3[%add3A_537, %dma_start3A_540] : memref<25600x128xi32, #tpu.memory_space<hbm>> -> memref<2x128xi32, #tpu.memory_space<hbm>>
        tpu.enqueue_dma source(%dma_start3A_541 : memref<2x128xi32, #tpu.memory_space<hbm>>) target(%arg11 : memref<2x128xi32, #tpu.memory_space<vmem>>) target_semaphore(%arg20 : memref<!tpu.dma_semaphore, #tpu.memory_space<semaphore_mem>>)
      } else {
      }
      %add3A_369 = arith.constant 1 : i32
      %add3A_370 = arith.addi %add3A_290, %add3A_369 : i32
      %dma_wait3A_371 = arith.constant 0 : i32
      %dma_wait3A_372 = arith.constant 0 : i32
      %dma_wait3A_373 = arith.constant 0 : i32
      %dma_wait3A_374 = tpu.memref_slice %arg6[%dma_wait3A_372, %dma_wait3A_373] : memref<256x128xf32, #tpu.memory_space<vmem>> -> memref<128x128xf32, #tpu.memory_space<vmem>>
      %dma_wait3A_375 = arith.constant 0 : i32
      %dma_wait3A_376 = tpu.memref_slice %arg9[%dma_wait3A_371, %dma_wait3A_375] : memref<2x128xi32, #tpu.memory_space<vmem>> -> memref<1x128xi32, #tpu.memory_space<vmem>>
      %dma_wait3A_377 = tpu.memref_squeeze %dma_wait3A_376 : memref<1x128xi32, #tpu.memory_space<vmem>> -> memref<128xi32, #tpu.memory_space<vmem>>
      %dma_wait3A_378 = arith.constant 0 : i32
      %dma_wait3A_379 = arith.constant 0 : i32
      %dma_wait3A_380 = tpu.memref_slice %arg5[%dma_wait3A_378, %dma_wait3A_379] : memref<1000x128xf32, #tpu.memory_space<vmem_shared>> -> memref<1000x128xf32, #tpu.memory_space<vmem_shared>>
      tpu.wait_indirect_dma semaphore(%arg12 : memref<!tpu.dma_semaphore, #tpu.memory_space<semaphore_mem>>) src(%dma_wait3A_380 : memref<1000x128xf32, #tpu.memory_space<vmem_shared>>) dst(%dma_wait3A_374 : memref<128x128xf32, #tpu.memory_space<vmem>>)
      %dma_wait3A_381 = arith.constant 1 : i32
      %dma_wait3A_382 = arith.constant 128 : i32
      %dma_wait3A_383 = arith.constant 0 : i32
      %dma_wait3A_384 = tpu.memref_slice %arg6[%dma_wait3A_382, %dma_wait3A_383] : memref<256x128xf32, #tpu.memory_space<vmem>> -> memref<128x128xf32, #tpu.memory_space<vmem>>
      %dma_wait3A_385 = arith.constant 0 : i32
      %dma_wait3A_386 = tpu.memref_slice %arg9[%dma_wait3A_381, %dma_wait3A_385] : memref<2x128xi32, #tpu.memory_space<vmem>> -> memref<1x128xi32, #tpu.memory_space<vmem>>
      %dma_wait3A_387 = tpu.memref_squeeze %dma_wait3A_386 : memref<1x128xi32, #tpu.memory_space<vmem>> -> memref<128xi32, #tpu.memory_space<vmem>>
      %dma_wait3A_388 = arith.constant 0 : i32
      %dma_wait3A_389 = arith.constant 0 : i32
      %dma_wait3A_390 = tpu.memref_slice %arg5[%dma_wait3A_388, %dma_wait3A_389] : memref<1000x128xf32, #tpu.memory_space<vmem_shared>> -> memref<1000x128xf32, #tpu.memory_space<vmem_shared>>
      tpu.wait_indirect_dma semaphore(%arg12 : memref<!tpu.dma_semaphore, #tpu.memory_space<semaphore_mem>>) src(%dma_wait3A_390 : memref<1000x128xf32, #tpu.memory_space<vmem_shared>>) dst(%dma_wait3A_384 : memref<128x128xf32, #tpu.memory_space<vmem>>)
      %mul3A_391 = arith.constant 2 : i32
      %mul3A_392 = arith.muli %mul3A_391, %add3A_370 : i32
      %add3A_393 = arith.addi %mul3A_2, %mul3A_392 : i32
      %mul3A_394 = arith.constant 128 : i32
      %mul3A_395 = arith.muli %add3A_393, %mul3A_394 : i32
      %dma_start3A_396 = arith.constant 0 : i32
      %dma_start3A_397 = tpu.memref_slice %arg4[%mul3A_395, %dma_start3A_396] : memref<3276800x128xf32, #tpu.memory_space<hbm>> -> memref<256x128xf32, #tpu.memory_space<hbm>>
      %dma_start3A_398 = arith.constant 0 : i32
      %dma_start3A_399 = tpu.memref_slice %arg4[%mul3A_395, %dma_start3A_398] : memref<3276800x128xf32, #tpu.memory_space<hbm>> -> memref<256x128xf32, #tpu.memory_space<hbm>>
      tpu.enqueue_dma source(%arg6 : memref<256x128xf32, #tpu.memory_space<vmem>>) target(%dma_start3A_399 : memref<256x128xf32, #tpu.memory_space<hbm>>) target_semaphore(%arg15 : memref<!tpu.dma_semaphore, #tpu.memory_space<semaphore_mem>>)
      %sub3A_400 = arith.constant 1 : i32
      %sub3A_401 = arith.subi %add3A_370, %sub3A_400 : i32
      %mul3A_402 = arith.constant 2 : i32
      %mul3A_403 = arith.muli %mul3A_402, %sub3A_401 : i32
      %add3A_404 = arith.addi %mul3A_2, %mul3A_403 : i32
      %mul3A_405 = arith.constant 128 : i32
      %mul3A_406 = arith.muli %add3A_404, %mul3A_405 : i32
      %dma_wait3A_407 = arith.constant 0 : i32
      %dma_wait3A_408 = tpu.memref_slice %arg4[%mul3A_406, %dma_wait3A_407] : memref<3276800x128xf32, #tpu.memory_space<hbm>> -> memref<256x128xf32, #tpu.memory_space<hbm>>
      %dma_wait3A_409 = arith.constant 0 : i32
      %dma_wait3A_410 = tpu.memref_slice %arg4[%mul3A_406, %dma_wait3A_409] : memref<3276800x128xf32, #tpu.memory_space<hbm>> -> memref<256x128xf32, #tpu.memory_space<hbm>>
      tpu.wait_dma2 semaphore(%arg17 : memref<!tpu.dma_semaphore, #tpu.memory_space<semaphore_mem>>) src(%arg8 : memref<256x128xf32, #tpu.memory_space<vmem>>) dst(%dma_wait3A_410 : memref<256x128xf32, #tpu.memory_space<hbm>>)
      %add3A_411 = arith.constant 2 : i32
      %add3A_412 = arith.addi %add3A_370, %add3A_411 : i32
      %mul3A_413 = arith.constant 2 : i32
      %mul3A_414 = arith.muli %mul3A_413, %add3A_412 : i32
      %add3A_415 = arith.addi %mul3A_2, %mul3A_414 : i32
      %dma_wait3A_416 = arith.constant 0 : i32
      %dma_wait3A_417 = tpu.memref_slice %arg3[%add3A_415, %dma_wait3A_416] : memref<25600x128xi32, #tpu.memory_space<hbm>> -> memref<2x128xi32, #tpu.memory_space<hbm>>
      %dma_wait3A_418 = arith.constant 0 : i32
      %dma_wait3A_419 = tpu.memref_slice %arg3[%add3A_415, %dma_wait3A_418] : memref<25600x128xi32, #tpu.memory_space<hbm>> -> memref<2x128xi32, #tpu.memory_space<hbm>>
      tpu.wait_dma2 semaphore(%arg20 : memref<!tpu.dma_semaphore, #tpu.memory_space<semaphore_mem>>) src(%dma_wait3A_419 : memref<2x128xi32, #tpu.memory_space<hbm>>) dst(%arg11 : memref<2x128xi32, #tpu.memory_space<vmem>>)
      %add3A_420 = arith.constant 2 : i32
      %add3A_421 = arith.addi %add3A_370, %add3A_420 : i32
      %dma_start3A_422 = arith.constant 0 : i32
      %dma_start3A_423 = arith.constant 0 : i32
      %dma_start3A_424 = arith.constant 0 : i32
      %dma_start3A_425 = tpu.memref_slice %arg8[%dma_start3A_423, %dma_start3A_424] : memref<256x128xf32, #tpu.memory_space<vmem>> -> memref<128x128xf32, #tpu.memory_space<vmem>>
      %dma_start3A_426 = arith.constant 0 : i32
      %dma_start3A_427 = tpu.memref_slice %arg11[%dma_start3A_422, %dma_start3A_426] : memref<2x128xi32, #tpu.memory_space<vmem>> -> memref<1x128xi32, #tpu.memory_space<vmem>>
      %dma_start3A_428 = tpu.memref_squeeze %dma_start3A_427 : memref<1x128xi32, #tpu.memory_space<vmem>> -> memref<128xi32, #tpu.memory_space<vmem>>
      %dma_start3A_429 = arith.constant 0 : i32
      %dma_start3A_430 = arith.constant 0 : i32
      %dma_start3A_431 = tpu.memref_slice %arg5[%dma_start3A_429, %dma_start3A_430] : memref<1000x128xf32, #tpu.memory_space<vmem_shared>> -> memref<1000x128xf32, #tpu.memory_space<vmem_shared>>
      tpu.enqueue_indirect_dma source(%dma_start3A_431 : memref<1000x128xf32, #tpu.memory_space<vmem_shared>>) target(%dma_start3A_425 : memref<128x128xf32, #tpu.memory_space<vmem>>) offsets(%dma_start3A_428 : memref<128xi32, #tpu.memory_space<vmem>>) semaphore(%arg14 : memref<!tpu.dma_semaphore, #tpu.memory_space<semaphore_mem>>)
      %add3A_432 = arith.constant 2 : i32
      %add3A_433 = arith.addi %add3A_370, %add3A_432 : i32
      %dma_start3A_434 = arith.constant 1 : i32
      %dma_start3A_435 = arith.constant 128 : i32
      %dma_start3A_436 = arith.constant 0 : i32
      %dma_start3A_437 = tpu.memref_slice %arg8[%dma_start3A_435, %dma_start3A_436] : memref<256x128xf32, #tpu.memory_space<vmem>> -> memref<128x128xf32, #tpu.memory_space<vmem>>
      %dma_start3A_438 = arith.constant 0 : i32
      %dma_start3A_439 = tpu.memref_slice %arg11[%dma_start3A_434, %dma_start3A_438] : memref<2x128xi32, #tpu.memory_space<vmem>> -> memref<1x128xi32, #tpu.memory_space<vmem>>
      %dma_start3A_440 = tpu.memref_squeeze %dma_start3A_439 : memref<1x128xi32, #tpu.memory_space<vmem>> -> memref<128xi32, #tpu.memory_space<vmem>>
      %dma_start3A_441 = arith.constant 0 : i32
      %dma_start3A_442 = arith.constant 0 : i32
      %dma_start3A_443 = tpu.memref_slice %arg5[%dma_start3A_441, %dma_start3A_442] : memref<1000x128xf32, #tpu.memory_space<vmem_shared>> -> memref<1000x128xf32, #tpu.memory_space<vmem_shared>>
      tpu.enqueue_indirect_dma source(%dma_start3A_443 : memref<1000x128xf32, #tpu.memory_space<vmem_shared>>) target(%dma_start3A_437 : memref<128x128xf32, #tpu.memory_space<vmem>>) offsets(%dma_start3A_440 : memref<128xi32, #tpu.memory_space<vmem>>) semaphore(%arg14 : memref<!tpu.dma_semaphore, #tpu.memory_space<semaphore_mem>>)
      %add3A_444 = arith.constant 3 : i32
      %add3A_445 = arith.addi %add3A_370, %add3A_444 : i32
      %lt3A_446 = arith.constant 400 : i32
      %lt3A_447 = arith.cmpi slt, %add3A_445, %lt3A_446 : i32
      %convert_element_type3A_448 = arith.extui %lt3A_447 : i1 to i32
      %cond3A_449 = arith.constant 0 : i32
      %cond3A_450 = arith.cmpi ne, %convert_element_type3A_448, %cond3A_449 : i32
      scf.if %cond3A_450 {
        %add3A_533 = arith.constant 3 : i32
        %add3A_534 = arith.addi %add3A_370, %add3A_533 : i32
        %mul3A_535 = arith.constant 2 : i32
        %mul3A_536 = arith.muli %mul3A_535, %add3A_534 : i32
        %add3A_537 = arith.addi %mul3A_2, %mul3A_536 : i32
        %dma_start3A_538 = arith.constant 0 : i32
        %dma_start3A_539 = tpu.memref_slice %arg3[%add3A_537, %dma_start3A_538] : memref<25600x128xi32, #tpu.memory_space<hbm>> -> memref<2x128xi32, #tpu.memory_space<hbm>>
        %dma_start3A_540 = arith.constant 0 : i32
        %dma_start3A_541 = tpu.memref_slice %arg3[%add3A_537, %dma_start3A_540] : memref<25600x128xi32, #tpu.memory_space<hbm>> -> memref<2x128xi32, #tpu.memory_space<hbm>>
        tpu.enqueue_dma source(%dma_start3A_541 : memref<2x128xi32, #tpu.memory_space<hbm>>) target(%arg9 : memref<2x128xi32, #tpu.memory_space<vmem>>) target_semaphore(%arg18 : memref<!tpu.dma_semaphore, #tpu.memory_space<semaphore_mem>>)
      } else {
      }
      %add3A_451 = arith.constant 2 : i32
      %add3A_452 = arith.addi %add3A_290, %add3A_451 : i32
      %dma_wait3A_453 = arith.constant 0 : i32
      %dma_wait3A_454 = arith.constant 0 : i32
      %dma_wait3A_455 = arith.constant 0 : i32
      %dma_wait3A_456 = tpu.memref_slice %arg7[%dma_wait3A_454, %dma_wait3A_455] : memref<256x128xf32, #tpu.memory_space<vmem>> -> memref<128x128xf32, #tpu.memory_space<vmem>>
      %dma_wait3A_457 = arith.constant 0 : i32
      %dma_wait3A_458 = tpu.memref_slice %arg10[%dma_wait3A_453, %dma_wait3A_457] : memref<2x128xi32, #tpu.memory_space<vmem>> -> memref<1x128xi32, #tpu.memory_space<vmem>>
      %dma_wait3A_459 = tpu.memref_squeeze %dma_wait3A_458 : memref<1x128xi32, #tpu.memory_space<vmem>> -> memref<128xi32, #tpu.memory_space<vmem>>
      %dma_wait3A_460 = arith.constant 0 : i32
      %dma_wait3A_461 = arith.constant 0 : i32
      %dma_wait3A_462 = tpu.memref_slice %arg5[%dma_wait3A_460, %dma_wait3A_461] : memref<1000x128xf32, #tpu.memory_space<vmem_shared>> -> memref<1000x128xf32, #tpu.memory_space<vmem_shared>>
      tpu.wait_indirect_dma semaphore(%arg13 : memref<!tpu.dma_semaphore, #tpu.memory_space<semaphore_mem>>) src(%dma_wait3A_462 : memref<1000x128xf32, #tpu.memory_space<vmem_shared>>) dst(%dma_wait3A_456 : memref<128x128xf32, #tpu.memory_space<vmem>>)
      %dma_wait3A_463 = arith.constant 1 : i32
      %dma_wait3A_464 = arith.constant 128 : i32
      %dma_wait3A_465 = arith.constant 0 : i32
      %dma_wait3A_466 = tpu.memref_slice %arg7[%dma_wait3A_464, %dma_wait3A_465] : memref<256x128xf32, #tpu.memory_space<vmem>> -> memref<128x128xf32, #tpu.memory_space<vmem>>
      %dma_wait3A_467 = arith.constant 0 : i32
      %dma_wait3A_468 = tpu.memref_slice %arg10[%dma_wait3A_463, %dma_wait3A_467] : memref<2x128xi32, #tpu.memory_space<vmem>> -> memref<1x128xi32, #tpu.memory_space<vmem>>
      %dma_wait3A_469 = tpu.memref_squeeze %dma_wait3A_468 : memref<1x128xi32, #tpu.memory_space<vmem>> -> memref<128xi32, #tpu.memory_space<vmem>>
      %dma_wait3A_470 = arith.constant 0 : i32
      %dma_wait3A_471 = arith.constant 0 : i32
      %dma_wait3A_472 = tpu.memref_slice %arg5[%dma_wait3A_470, %dma_wait3A_471] : memref<1000x128xf32, #tpu.memory_space<vmem_shared>> -> memref<1000x128xf32, #tpu.memory_space<vmem_shared>>
      tpu.wait_indirect_dma semaphore(%arg13 : memref<!tpu.dma_semaphore, #tpu.memory_space<semaphore_mem>>) src(%dma_wait3A_472 : memref<1000x128xf32, #tpu.memory_space<vmem_shared>>) dst(%dma_wait3A_466 : memref<128x128xf32, #tpu.memory_space<vmem>>)
      %mul3A_473 = arith.constant 2 : i32
      %mul3A_474 = arith.muli %mul3A_473, %add3A_452 : i32
      %add3A_475 = arith.addi %mul3A_2, %mul3A_474 : i32
      %mul3A_476 = arith.constant 128 : i32
      %mul3A_477 = arith.muli %add3A_475, %mul3A_476 : i32
      %dma_start3A_478 = arith.constant 0 : i32
      %dma_start3A_479 = tpu.memref_slice %arg4[%mul3A_477, %dma_start3A_478] : memref<3276800x128xf32, #tpu.memory_space<hbm>> -> memref<256x128xf32, #tpu.memory_space<hbm>>
      %dma_start3A_480 = arith.constant 0 : i32
      %dma_start3A_481 = tpu.memref_slice %arg4[%mul3A_477, %dma_start3A_480] : memref<3276800x128xf32, #tpu.memory_space<hbm>> -> memref<256x128xf32, #tpu.memory_space<hbm>>
      tpu.enqueue_dma source(%arg7 : memref<256x128xf32, #tpu.memory_space<vmem>>) target(%dma_start3A_481 : memref<256x128xf32, #tpu.memory_space<hbm>>) target_semaphore(%arg16 : memref<!tpu.dma_semaphore, #tpu.memory_space<semaphore_mem>>)
      %sub3A_482 = arith.constant 1 : i32
      %sub3A_483 = arith.subi %add3A_452, %sub3A_482 : i32
      %mul3A_484 = arith.constant 2 : i32
      %mul3A_485 = arith.muli %mul3A_484, %sub3A_483 : i32
      %add3A_486 = arith.addi %mul3A_2, %mul3A_485 : i32
      %mul3A_487 = arith.constant 128 : i32
      %mul3A_488 = arith.muli %add3A_486, %mul3A_487 : i32
      %dma_wait3A_489 = arith.constant 0 : i32
      %dma_wait3A_490 = tpu.memref_slice %arg4[%mul3A_488, %dma_wait3A_489] : memref<3276800x128xf32, #tpu.memory_space<hbm>> -> memref<256x128xf32, #tpu.memory_space<hbm>>
      %dma_wait3A_491 = arith.constant 0 : i32
      %dma_wait3A_492 = tpu.memref_slice %arg4[%mul3A_488, %dma_wait3A_491] : memref<3276800x128xf32, #tpu.memory_space<hbm>> -> memref<256x128xf32, #tpu.memory_space<hbm>>
      tpu.wait_dma2 semaphore(%arg15 : memref<!tpu.dma_semaphore, #tpu.memory_space<semaphore_mem>>) src(%arg6 : memref<256x128xf32, #tpu.memory_space<vmem>>) dst(%dma_wait3A_492 : memref<256x128xf32, #tpu.memory_space<hbm>>)
      %add3A_493 = arith.constant 2 : i32
      %add3A_494 = arith.addi %add3A_452, %add3A_493 : i32
      %mul3A_495 = arith.constant 2 : i32
      %mul3A_496 = arith.muli %mul3A_495, %add3A_494 : i32
      %add3A_497 = arith.addi %mul3A_2, %mul3A_496 : i32
      %dma_wait3A_498 = arith.constant 0 : i32
      %dma_wait3A_499 = tpu.memref_slice %arg3[%add3A_497, %dma_wait3A_498] : memref<25600x128xi32, #tpu.memory_space<hbm>> -> memref<2x128xi32, #tpu.memory_space<hbm>>
      %dma_wait3A_500 = arith.constant 0 : i32
      %dma_wait3A_501 = tpu.memref_slice %arg3[%add3A_497, %dma_wait3A_500] : memref<25600x128xi32, #tpu.memory_space<hbm>> -> memref<2x128xi32, #tpu.memory_space<hbm>>
      tpu.wait_dma2 semaphore(%arg18 : memref<!tpu.dma_semaphore, #tpu.memory_space<semaphore_mem>>) src(%dma_wait3A_501 : memref<2x128xi32, #tpu.memory_space<hbm>>) dst(%arg9 : memref<2x128xi32, #tpu.memory_space<vmem>>)
      %add3A_502 = arith.constant 2 : i32
      %add3A_503 = arith.addi %add3A_452, %add3A_502 : i32
      %dma_start3A_504 = arith.constant 0 : i32
      %dma_start3A_505 = arith.constant 0 : i32
      %dma_start3A_506 = arith.constant 0 : i32
      %dma_start3A_507 = tpu.memref_slice %arg6[%dma_start3A_505, %dma_start3A_506] : memref<256x128xf32, #tpu.memory_space<vmem>> -> memref<128x128xf32, #tpu.memory_space<vmem>>
      %dma_start3A_508 = arith.constant 0 : i32
      %dma_start3A_509 = tpu.memref_slice %arg9[%dma_start3A_504, %dma_start3A_508] : memref<2x128xi32, #tpu.memory_space<vmem>> -> memref<1x128xi32, #tpu.memory_space<vmem>>
      %dma_start3A_510 = tpu.memref_squeeze %dma_start3A_509 : memref<1x128xi32, #tpu.memory_space<vmem>> -> memref<128xi32, #tpu.memory_space<vmem>>
      %dma_start3A_511 = arith.constant 0 : i32
      %dma_start3A_512 = arith.constant 0 : i32
      %dma_start3A_513 = tpu.memref_slice %arg5[%dma_start3A_511, %dma_start3A_512] : memref<1000x128xf32, #tpu.memory_space<vmem_shared>> -> memref<1000x128xf32, #tpu.memory_space<vmem_shared>>
      tpu.enqueue_indirect_dma source(%dma_start3A_513 : memref<1000x128xf32, #tpu.memory_space<vmem_shared>>) target(%dma_start3A_507 : memref<128x128xf32, #tpu.memory_space<vmem>>) offsets(%dma_start3A_510 : memref<128xi32, #tpu.memory_space<vmem>>) semaphore(%arg12 : memref<!tpu.dma_semaphore, #tpu.memory_space<semaphore_mem>>)
      %add3A_514 = arith.constant 2 : i32
      %add3A_515 = arith.addi %add3A_452, %add3A_514 : i32
      %dma_start3A_516 = arith.constant 1 : i32
      %dma_start3A_517 = arith.constant 128 : i32
      %dma_start3A_518 = arith.constant 0 : i32
      %dma_start3A_519 = tpu.memref_slice %arg6[%dma_start3A_517, %dma_start3A_518] : memref<256x128xf32, #tpu.memory_space<vmem>> -> memref<128x128xf32, #tpu.memory_space<vmem>>
      %dma_start3A_520 = arith.constant 0 : i32
      %dma_start3A_521 = tpu.memref_slice %arg9[%dma_start3A_516, %dma_start3A_520] : memref<2x128xi32, #tpu.memory_space<vmem>> -> memref<1x128xi32, #tpu.memory_space<vmem>>
      %dma_start3A_522 = tpu.memref_squeeze %dma_start3A_521 : memref<1x128xi32, #tpu.memory_space<vmem>> -> memref<128xi32, #tpu.memory_space<vmem>>
      %dma_start3A_523 = arith.constant 0 : i32
      %dma_start3A_524 = arith.constant 0 : i32
      %dma_start3A_525 = tpu.memref_slice %arg5[%dma_start3A_523, %dma_start3A_524] : memref<1000x128xf32, #tpu.memory_space<vmem_shared>> -> memref<1000x128xf32, #tpu.memory_space<vmem_shared>>
      tpu.enqueue_indirect_dma source(%dma_start3A_525 : memref<1000x128xf32, #tpu.memory_space<vmem_shared>>) target(%dma_start3A_519 : memref<128x128xf32, #tpu.memory_space<vmem>>) offsets(%dma_start3A_522 : memref<128xi32, #tpu.memory_space<vmem>>) semaphore(%arg12 : memref<!tpu.dma_semaphore, #tpu.memory_space<semaphore_mem>>)
      %add3A_526 = arith.constant 3 : i32
      %add3A_527 = arith.addi %add3A_452, %add3A_526 : i32
      %lt3A_528 = arith.constant 400 : i32
      %lt3A_529 = arith.cmpi slt, %add3A_527, %lt3A_528 : i32
      %convert_element_type3A_530 = arith.extui %lt3A_529 : i1 to i32
      %cond3A_531 = arith.constant 0 : i32
      %cond3A_532 = arith.cmpi ne, %convert_element_type3A_530, %cond3A_531 : i32
      scf.if %cond3A_532 {
        %add3A_533 = arith.constant 3 : i32
        %add3A_534 = arith.addi %add3A_452, %add3A_533 : i32
        %mul3A_535 = arith.constant 2 : i32
        %mul3A_536 = arith.muli %mul3A_535, %add3A_534 : i32
        %add3A_537 = arith.addi %mul3A_2, %mul3A_536 : i32
        %dma_start3A_538 = arith.constant 0 : i32
        %dma_start3A_539 = tpu.memref_slice %arg3[%add3A_537, %dma_start3A_538] : memref<25600x128xi32, #tpu.memory_space<hbm>> -> memref<2x128xi32, #tpu.memory_space<hbm>>
        %dma_start3A_540 = arith.constant 0 : i32
        %dma_start3A_541 = tpu.memref_slice %arg3[%add3A_537, %dma_start3A_540] : memref<25600x128xi32, #tpu.memory_space<hbm>> -> memref<2x128xi32, #tpu.memory_space<hbm>>
        tpu.enqueue_dma source(%dma_start3A_541 : memref<2x128xi32, #tpu.memory_space<hbm>>) target(%arg10 : memref<2x128xi32, #tpu.memory_space<vmem>>) target_semaphore(%arg19 : memref<!tpu.dma_semaphore, #tpu.memory_space<semaphore_mem>>)
      } else {
      }
    }
    %scan3A_205 = arith.constant 132 : i32
    %dma_wait3A_206 = arith.constant 0 : i32
    %dma_wait3A_207 = arith.constant 0 : i32
    %dma_wait3A_208 = arith.constant 0 : i32
    %dma_wait3A_209 = tpu.memref_slice %arg8[%dma_wait3A_207, %dma_wait3A_208] : memref<256x128xf32, #tpu.memory_space<vmem>> -> memref<128x128xf32, #tpu.memory_space<vmem>>
    %dma_wait3A_210 = arith.constant 0 : i32
    %dma_wait3A_211 = tpu.memref_slice %arg11[%dma_wait3A_206, %dma_wait3A_210] : memref<2x128xi32, #tpu.memory_space<vmem>> -> memref<1x128xi32, #tpu.memory_space<vmem>>
    %dma_wait3A_212 = tpu.memref_squeeze %dma_wait3A_211 : memref<1x128xi32, #tpu.memory_space<vmem>> -> memref<128xi32, #tpu.memory_space<vmem>>
    %dma_wait3A_213 = arith.constant 0 : i32
    %dma_wait3A_214 = arith.constant 0 : i32
    %dma_wait3A_215 = tpu.memref_slice %arg5[%dma_wait3A_213, %dma_wait3A_214] : memref<1000x128xf32, #tpu.memory_space<vmem_shared>> -> memref<1000x128xf32, #tpu.memory_space<vmem_shared>>
    tpu.wait_indirect_dma semaphore(%arg14 : memref<!tpu.dma_semaphore, #tpu.memory_space<semaphore_mem>>) src(%dma_wait3A_215 : memref<1000x128xf32, #tpu.memory_space<vmem_shared>>) dst(%dma_wait3A_209 : memref<128x128xf32, #tpu.memory_space<vmem>>)
    %dma_wait3A_216 = arith.constant 1 : i32
    %dma_wait3A_217 = arith.constant 128 : i32
    %dma_wait3A_218 = arith.constant 0 : i32
    %dma_wait3A_219 = tpu.memref_slice %arg8[%dma_wait3A_217, %dma_wait3A_218] : memref<256x128xf32, #tpu.memory_space<vmem>> -> memref<128x128xf32, #tpu.memory_space<vmem>>
    %dma_wait3A_220 = arith.constant 0 : i32
    %dma_wait3A_221 = tpu.memref_slice %arg11[%dma_wait3A_216, %dma_wait3A_220] : memref<2x128xi32, #tpu.memory_space<vmem>> -> memref<1x128xi32, #tpu.memory_space<vmem>>
    %dma_wait3A_222 = tpu.memref_squeeze %dma_wait3A_221 : memref<1x128xi32, #tpu.memory_space<vmem>> -> memref<128xi32, #tpu.memory_space<vmem>>
    %dma_wait3A_223 = arith.constant 0 : i32
    %dma_wait3A_224 = arith.constant 0 : i32
    %dma_wait3A_225 = tpu.memref_slice %arg5[%dma_wait3A_223, %dma_wait3A_224] : memref<1000x128xf32, #tpu.memory_space<vmem_shared>> -> memref<1000x128xf32, #tpu.memory_space<vmem_shared>>
    tpu.wait_indirect_dma semaphore(%arg14 : memref<!tpu.dma_semaphore, #tpu.memory_space<semaphore_mem>>) src(%dma_wait3A_225 : memref<1000x128xf32, #tpu.memory_space<vmem_shared>>) dst(%dma_wait3A_219 : memref<128x128xf32, #tpu.memory_space<vmem>>)
    %add3A_226 = arith.constant 796 : i32
    %add3A_227 = arith.addi %mul3A_2, %add3A_226 : i32
    %mul3A_228 = arith.constant 128 : i32
    %mul3A_229 = arith.muli %add3A_227, %mul3A_228 : i32
    %dma_start3A_230 = arith.constant 0 : i32
    %dma_start3A_231 = tpu.memref_slice %arg4[%mul3A_229, %dma_start3A_230] : memref<3276800x128xf32, #tpu.memory_space<hbm>> -> memref<256x128xf32, #tpu.memory_space<hbm>>
    %dma_start3A_232 = arith.constant 0 : i32
    %dma_start3A_233 = tpu.memref_slice %arg4[%mul3A_229, %dma_start3A_232] : memref<3276800x128xf32, #tpu.memory_space<hbm>> -> memref<256x128xf32, #tpu.memory_space<hbm>>
    tpu.enqueue_dma source(%arg8 : memref<256x128xf32, #tpu.memory_space<vmem>>) target(%dma_start3A_233 : memref<256x128xf32, #tpu.memory_space<hbm>>) target_semaphore(%arg17 : memref<!tpu.dma_semaphore, #tpu.memory_space<semaphore_mem>>)
    %add3A_234 = arith.constant 794 : i32
    %add3A_235 = arith.addi %mul3A_2, %add3A_234 : i32
    %mul3A_236 = arith.constant 128 : i32
    %mul3A_237 = arith.muli %add3A_235, %mul3A_236 : i32
    %dma_wait3A_238 = arith.constant 0 : i32
    %dma_wait3A_239 = tpu.memref_slice %arg4[%mul3A_237, %dma_wait3A_238] : memref<3276800x128xf32, #tpu.memory_space<hbm>> -> memref<256x128xf32, #tpu.memory_space<hbm>>
    %dma_wait3A_240 = arith.constant 0 : i32
    %dma_wait3A_241 = tpu.memref_slice %arg4[%mul3A_237, %dma_wait3A_240] : memref<3276800x128xf32, #tpu.memory_space<hbm>> -> memref<256x128xf32, #tpu.memory_space<hbm>>
    tpu.wait_dma2 semaphore(%arg16 : memref<!tpu.dma_semaphore, #tpu.memory_space<semaphore_mem>>) src(%arg7 : memref<256x128xf32, #tpu.memory_space<vmem>>) dst(%dma_wait3A_241 : memref<256x128xf32, #tpu.memory_space<hbm>>)
    %dma_wait3A_242 = arith.constant 0 : i32
    %dma_wait3A_243 = arith.constant 0 : i32
    %dma_wait3A_244 = arith.constant 0 : i32
    %dma_wait3A_245 = tpu.memref_slice %arg6[%dma_wait3A_243, %dma_wait3A_244] : memref<256x128xf32, #tpu.memory_space<vmem>> -> memref<128x128xf32, #tpu.memory_space<vmem>>
    %dma_wait3A_246 = arith.constant 0 : i32
    %dma_wait3A_247 = tpu.memref_slice %arg9[%dma_wait3A_242, %dma_wait3A_246] : memref<2x128xi32, #tpu.memory_space<vmem>> -> memref<1x128xi32, #tpu.memory_space<vmem>>
    %dma_wait3A_248 = tpu.memref_squeeze %dma_wait3A_247 : memref<1x128xi32, #tpu.memory_space<vmem>> -> memref<128xi32, #tpu.memory_space<vmem>>
    %dma_wait3A_249 = arith.constant 0 : i32
    %dma_wait3A_250 = arith.constant 0 : i32
    %dma_wait3A_251 = tpu.memref_slice %arg5[%dma_wait3A_249, %dma_wait3A_250] : memref<1000x128xf32, #tpu.memory_space<vmem_shared>> -> memref<1000x128xf32, #tpu.memory_space<vmem_shared>>
    tpu.wait_indirect_dma semaphore(%arg12 : memref<!tpu.dma_semaphore, #tpu.memory_space<semaphore_mem>>) src(%dma_wait3A_251 : memref<1000x128xf32, #tpu.memory_space<vmem_shared>>) dst(%dma_wait3A_245 : memref<128x128xf32, #tpu.memory_space<vmem>>)
    %dma_wait3A_252 = arith.constant 1 : i32
    %dma_wait3A_253 = arith.constant 128 : i32
    %dma_wait3A_254 = arith.constant 0 : i32
    %dma_wait3A_255 = tpu.memref_slice %arg6[%dma_wait3A_253, %dma_wait3A_254] : memref<256x128xf32, #tpu.memory_space<vmem>> -> memref<128x128xf32, #tpu.memory_space<vmem>>
    %dma_wait3A_256 = arith.constant 0 : i32
    %dma_wait3A_257 = tpu.memref_slice %arg9[%dma_wait3A_252, %dma_wait3A_256] : memref<2x128xi32, #tpu.memory_space<vmem>> -> memref<1x128xi32, #tpu.memory_space<vmem>>
    %dma_wait3A_258 = tpu.memref_squeeze %dma_wait3A_257 : memref<1x128xi32, #tpu.memory_space<vmem>> -> memref<128xi32, #tpu.memory_space<vmem>>
    %dma_wait3A_259 = arith.constant 0 : i32
    %dma_wait3A_260 = arith.constant 0 : i32
    %dma_wait3A_261 = tpu.memref_slice %arg5[%dma_wait3A_259, %dma_wait3A_260] : memref<1000x128xf32, #tpu.memory_space<vmem_shared>> -> memref<1000x128xf32, #tpu.memory_space<vmem_shared>>
    tpu.wait_indirect_dma semaphore(%arg12 : memref<!tpu.dma_semaphore, #tpu.memory_space<semaphore_mem>>) src(%dma_wait3A_261 : memref<1000x128xf32, #tpu.memory_space<vmem_shared>>) dst(%dma_wait3A_255 : memref<128x128xf32, #tpu.memory_space<vmem>>)
    %add3A_262 = arith.constant 798 : i32
    %add3A_263 = arith.addi %mul3A_2, %add3A_262 : i32
    %mul3A_264 = arith.constant 128 : i32
    %mul3A_265 = arith.muli %add3A_263, %mul3A_264 : i32
    %dma_start3A_266 = arith.constant 0 : i32
    %dma_start3A_267 = tpu.memref_slice %arg4[%mul3A_265, %dma_start3A_266] : memref<3276800x128xf32, #tpu.memory_space<hbm>> -> memref<256x128xf32, #tpu.memory_space<hbm>>
    %dma_start3A_268 = arith.constant 0 : i32
    %dma_start3A_269 = tpu.memref_slice %arg4[%mul3A_265, %dma_start3A_268] : memref<3276800x128xf32, #tpu.memory_space<hbm>> -> memref<256x128xf32, #tpu.memory_space<hbm>>
    tpu.enqueue_dma source(%arg6 : memref<256x128xf32, #tpu.memory_space<vmem>>) target(%dma_start3A_269 : memref<256x128xf32, #tpu.memory_space<hbm>>) target_semaphore(%arg15 : memref<!tpu.dma_semaphore, #tpu.memory_space<semaphore_mem>>)
    %add3A_270 = arith.constant 796 : i32
    %add3A_271 = arith.addi %mul3A_2, %add3A_270 : i32
    %mul3A_272 = arith.constant 128 : i32
    %mul3A_273 = arith.muli %add3A_271, %mul3A_272 : i32
    %dma_wait3A_274 = arith.constant 0 : i32
    %dma_wait3A_275 = tpu.memref_slice %arg4[%mul3A_273, %dma_wait3A_274] : memref<3276800x128xf32, #tpu.memory_space<hbm>> -> memref<256x128xf32, #tpu.memory_space<hbm>>
    %dma_wait3A_276 = arith.constant 0 : i32
    %dma_wait3A_277 = tpu.memref_slice %arg4[%mul3A_273, %dma_wait3A_276] : memref<3276800x128xf32, #tpu.memory_space<hbm>> -> memref<256x128xf32, #tpu.memory_space<hbm>>
    tpu.wait_dma2 semaphore(%arg17 : memref<!tpu.dma_semaphore, #tpu.memory_space<semaphore_mem>>) src(%arg8 : memref<256x128xf32, #tpu.memory_space<vmem>>) dst(%dma_wait3A_277 : memref<256x128xf32, #tpu.memory_space<hbm>>)
    %add3A_278 = arith.constant 798 : i32
    %add3A_279 = arith.addi %mul3A_2, %add3A_278 : i32
    %mul3A_280 = arith.constant 128 : i32
    %mul3A_281 = arith.muli %add3A_279, %mul3A_280 : i32
    %dma_wait3A_282 = arith.constant 0 : i32
    %dma_wait3A_283 = tpu.memref_slice %arg4[%mul3A_281, %dma_wait3A_282] : memref<3276800x128xf32, #tpu.memory_space<hbm>> -> memref<256x128xf32, #tpu.memory_space<hbm>>
    %dma_wait3A_284 = arith.constant 0 : i32
    %dma_wait3A_285 = tpu.memref_slice %arg4[%mul3A_281, %dma_wait3A_284] : memref<3276800x128xf32, #tpu.memory_space<hbm>> -> memref<256x128xf32, #tpu.memory_space<hbm>>
    tpu.wait_dma2 semaphore(%arg15 : memref<!tpu.dma_semaphore, #tpu.memory_space<semaphore_mem>>) src(%arg6 : memref<256x128xf32, #tpu.memory_space<vmem>>) dst(%dma_wait3A_285 : memref<256x128xf32, #tpu.memory_space<hbm>>)
    return
  }
}

</mosaic_0001>

<sc_bundles>
// kernel: kernel.3.cloned.1.call-start
scs
__scs_entry_jumppad:
0x0: {  	(pc) =	sbr.rel $0x88, $3  }
0x1: {  	(tag) =	ssettag $0x0;
	lr =	simm.s32 $0x1  }
0x2: {  	[smem:$0x3F9F] =	sst lr;
	_ =	strace $0xD0000000  }
0x3: {  	_ = 	snop  }
0x4: {  	_ = 	snop  }
0x5: {  	_ = 	snop  }
0x6: {  	_ = 	snop  }
0x7: {  	_ = 	snop  }
__scs_overlays_trampoline_lowered:
0x8: {  	[smem:$0x3FAE] =	sst s0  }
0x9: {  	[smem:$0x3FAF] =	sst s1  }
0xa: {  	[smem:$0x3FB0] =	sst s2  }
0xb: {  	[smem:$0x3FB1] =	sst s3  }
0xc: {  	[smem:$0x3FB2] =	sst s4  }
0xd: {  	[smem:$0x3FB3] =	sst s5  }
0xe: {  	[smem:$0x3FB4] =	sst s6  }
0xf: {  	[smem:$0x3FB5] =	sst s7  }
0x10: {  	[smem:$0x3FB6] =	sst s8  }
0x11: {  	[smem:$0x3FB7] =	sst s9;
	s0 =	simm.s32 @!p0 $0x0  }
0x12: {  	s1 =	sld [smem:$0x3F9D];
	s0 =	simm.s32 @p0 $0x1  }
0x13: {  	[smem:$0x3FB8] =	sst s0;
	s0 =	simm.s32 @!p1 $0x0  }
0x14: {  	s2 =	sld [smem:$0x3F9C];
	s0 =	simm.s32 @p1 $0x1  }
0x15: {  	[smem:$0x3FB9] =	sst s0;
	s0 =	simm.s32 @!p2 $0x0  }
0x16: {  	s3 =	sld [smem:$0x3FDB];
	s0 =	simm.s32 @p2 $0x1  }
0x17: {  	s4 =	simm.s32 $0x1BF5;
	[smem:$0x3FBB] =	sst s0  }
0x18: {  	s0 =	sld [smem:$0x3F9E];
	_ =	swait.ge [sflag:s4], $0x0  }
0x19: {  	s7 =	sld [smem:$0x3F9F]  }
0x1a: {  	s8 =	sadd.s32 $0xFFFFE003, lr  }
0x1b: {  	s9 =	sadd.s32 $0xFFFFFEF7, lr;
	s5 =	simm.s32 $0xFFFFFFFF;
	p2 =	slt.u32 s8, $0xFFFFF086  }
0x1c: {  	p1 =	slt.u32 s9, $0xF7A;
	s5 =	simm.s32 @!p2 $0x0  }
0x1d: {  	s5 =	simm.s32 @p1 $0x1;
	p0 =	seq.s32 s7, s2  }
0x1e: {  	s7 =	smul.u32 @!p0 $0xF7A, s2;
	p2 =	seq.s32 @!p0 s5, $0x0  }
0x1f: {  	s9 =	smul.u32 $0xF7A, s1;
	s8 =	simm.s32 @!p0 $0x1BF5;
	p2 =	por !p2, p0  }
0x20: {  	[sflag:s8] =	ssyncset.s32 @!p0 $0xFFFFF086;
	s6 =	sadd.s32 @!p0 s3, s7;
	s7 =	simm.s32 @!p0 $0x108  }
0x21: {  	s3 =	sadd.s32 s3, s9;
	s6 =	sadd.s32 @!p0 $0x88, s6;
	s7 =	simm.s32 @p2 $0x1082  }
0x22: {  	[simem:s7], [sflag:s8] =	dma.local @!p0 [hbm:s6], $0xF7A  }
0x23: {  	s9 =	sor.u32 $0xD0000000, s2;
	s6 =	simm.s32 $0x108;
	_ =	swait.ge @!p0 [sflag:s8], $0x0  }
0x24: {  	s3 =	sadd.s32 $0x88, s3;
	s6 =	simm.s32 @!p1 $0x1082;
	[sflag:s4] =	ssyncset.s32 $0xFFFFF086  }
0x25: {  	[simem:s6], [sflag:s4] =	dma.local [hbm:s3], $0xF7A  }
0x26: {  	[smem:$0x3F9F] =	sst s1;
	(tag) =	ssettag s2;
	_ =	strace s9  }
0x27: {  	s1 =	sld [smem:$0x3FAF]  }
0x28: {  	s2 =	sld [smem:$0x3FB0]  }
0x29: {  	s4 =	sld [smem:$0x3FB2]  }
0x2a: {  	p0 =	seq.s32 s5, $0x0;
	s5 =	sld [smem:$0x3FB3]  }
0x2b: {  	s6 =	sld [smem:$0x3FB4]  }
0x2c: {  	s7 =	sld [smem:$0x3FB5]  }
0x2d: {  	s3 =	simm.s32 $0x108;
	s8 =	sld [smem:$0x3FB6]  }
0x2e: {  	s3 =	simm.s32 @!p0 $0x1082;
	s9 =	sld [smem:$0x3FB7]  }
0x2f: {  	lr =	sadd.s32 s0, s3;
	s0 =	sld [smem:$0x3FAE]  }
0x30: {  	s3 =	sld [smem:$0x3FB1]  }
0x31: {  	[smem:$0x3FBA] =	sst s10  }
0x32: {  	s10 =	sld [smem:$0x3FB8];
	_ =	sdelay $0x3  }
0x33: {  	p0 =	seq.s32 s10, $0x1;
	s10 =	sld [smem:$0x3FBA];
	_ =	sdelay $0x3  }
0x34: {  	[smem:$0x3FBA] =	sst s10  }
0x35: {  	s10 =	sld [smem:$0x3FB9];
	_ =	sdelay $0x3  }
0x36: {  	p1 =	seq.s32 s10, $0x1;
	s10 =	sld [smem:$0x3FBA];
	_ =	sdelay $0x3  }
0x37: {  	[smem:$0x3FBA] =	sst s10  }
0x38: {  	s10 =	sld [smem:$0x3FBB]  }
0x39: {  	_ = 	snop;
	(pc) =	sbr.ind lr, $3  }
0x3a: {  	_ = 	snop  }
0x3b: {  	_ = 	snop  }
0x3c: {  	p2 =	seq.s32 s10, $0x1;
	s10 =	sld [smem:$0x3FBA]  }
0x3d: {  	_ =	shalt  }
0x3e: {  	_ =	shalt  }
0x3f: {  	_ =	shalt  }
0x40: {  	_ =	shalt  }
0x41: {  	_ =	shalt  }
0x42: {  	_ =	shalt  }
0x43: {  	_ =	shalt  }
0x44: {  	_ =	shalt  }
0x45: {  	_ =	shalt  }
0x46: {  	_ =	shalt  }
0x47: {  	_ =	shalt  }
0x48: {  	_ =	shalt  }
0x49: {  	_ =	shalt  }
0x4a: {  	_ =	shalt  }
0x4b: {  	_ =	shalt  }
0x4c: {  	_ =	shalt  }
0x4d: {  	_ =	shalt  }
0x4e: {  	_ =	shalt  }
0x4f: {  	_ =	shalt  }
0x50: {  	_ =	shalt  }
0x51: {  	_ =	shalt  }
0x52: {  	_ =	shalt  }
0x53: {  	_ =	shalt  }
0x54: {  	_ =	shalt  }
0x55: {  	_ =	shalt  }
0x56: {  	_ =	shalt  }
0x57: {  	_ =	shalt  }
0x58: {  	_ =	shalt  }
0x59: {  	_ =	shalt  }
0x5a: {  	_ =	shalt  }
0x5b: {  	_ =	shalt  }
0x5c: {  	_ =	shalt  }
0x5d: {  	_ =	shalt  }
0x5e: {  	_ =	shalt  }
0x5f: {  	_ =	shalt  }
0x60: {  	_ =	shalt  }
0x61: {  	_ =	shalt  }
0x62: {  	_ =	shalt  }
0x63: {  	_ =	shalt  }
0x64: {  	_ =	shalt  }
0x65: {  	_ =	shalt  }
0x66: {  	_ =	shalt  }
0x67: {  	_ =	shalt  }
0x68: {  	_ =	shalt  }
0x69: {  	_ =	shalt  }
0x6a: {  	_ =	shalt  }
0x6b: {  	_ =	shalt  }
0x6c: {  	_ =	shalt  }
0x6d: {  	_ =	shalt  }
0x6e: {  	_ =	shalt  }
0x6f: {  	_ =	shalt  }
0x70: {  	_ =	shalt  }
0x71: {  	_ =	shalt  }
0x72: {  	_ =	shalt  }
0x73: {  	_ =	shalt  }
0x74: {  	_ =	shalt  }
0x75: {  	_ =	shalt  }
0x76: {  	_ =	shalt  }
0x77: {  	_ =	shalt  }
0x78: {  	_ =	shalt  }
0x79: {  	_ =	shalt  }
0x7a: {  	_ =	shalt  }
0x7b: {  	_ =	shalt  }
0x7c: {  	_ =	shalt  }
0x7d: {  	_ =	shalt  }
0x7e: {  	_ =	shalt  }
0x7f: {  	_ =	shalt  }
0x80: {  	_ =	shalt  }
0x81: {  	_ =	shalt  }
0x82: {  	_ =	shalt  }
0x83: {  	_ =	shalt  }
0x84: {  	_ =	shalt  }
0x85: {  	_ =	shalt  }
0x86: {  	_ =	shalt  }
0x87: {  	_ =	shalt  }
.Lfunc_end0:
.L_simem_size_0:
called_computation_lowered:
.L_overlay_start_0:
0x88: {  	s2 =	sld [smem:$0x3FD9]  }
0x89: {  	s3 =	sld [smem:$0x3FFE];
	_ =	sdelay $0x1  }
0x8a: {  	s1 =	srdreg.scid  }
0x8b: {  	s0 =	sand.u32 $0x1, s1  }
0x8c: {  	s17 =	sshll.u32 s0, $0xA;
	s2 =	sadd.s32 s3, s2  }
0x8d: {  	s2 =	sadd.s32 s2, s17  }
0x8e: {  	[smem:$0x3FC6] =	sst s2  }
0x8f: {  	_ = 	snop  }
0x90: {  	s2 =	sld [smem:$0x3FC8]  }
0x91: {  	s18 =	sld [smem:$0x3FD0];
	(tm) =	ssettm $0x1  }
0x92: {  	s4 =	sld [smem:$0x3FFB];
	_ =	sdelay $0x3  }
0x93: {  	_ =	strace s4  }
0x94: {  	s4 =	sld [smem:$0x3FFC];
	_ =	sdelay $0x3  }
0x95: {  	_ =	strace s4  }
0x96: {  	s4 =	sld [smem:$0x3FFD];
	_ =	sdelay $0x3  }
0x97: {  	_ =	strace s4  }
0x98: {  	_ =	strace $0x8FFFFFFF  }
0x99: {  	s19 =	sld [smem:$0x3FDB];
	_ =	sdelay $0x1  }
0x9a: {  	s5 =	simm.s32 $_scs_section_size  }
0x9b: {  	s6 =	simm.s32 $_size__tile_overlayer_lowered;
	s7 =	simm.s32 $_tile_overlayer_lowered  }
0x9c: {  	s22 =	simm.s32 $0x1BFF;
	s21 =	sshll.u32 s7, $0x1;
	s4 =	sadd.s32 s5, s19  }
0x9d: {  	s8 =	simm.s32 $0x0;
	s20 =	sshll.u32 s6, $0x1;
	s6 =	sadd.s32 s21, s4  }
0x9e: {  	[timem:s8], [sflag:s22] =	dma.local [hbm:s6], s20  }
0x9f: {  	_ =	swait.ge [sflag:s22], s20  }
0xa0: {  	s5 =	ssub.s32 $0x0, s20;
	[sflag:s22] =	ssyncset.done $0x0  }
0xa1: {  	[sflag:s22] =	ssyncadd.s32 s5;
	_ =	sdelay $0x1  }
0xa2: {  	s23 =	simm.s32 $0x1B8B  }
0xa3: {  	_ =	swait.ge [sflag:s23], $0x1  }
0xa4: {  	[sflag:s23] =	ssyncset.done $0x0  }
0xa5: {  	s25 =	simm.s32 $0x1B8E;
	s24 =	sld [smem:$0x3FFE];
	[sflag:s23] =	ssyncadd.s32 $0xFFFFFFFF  }
0xa6: {  	s26 =	simm.s32 $execute0_lowered;
	[smem:$0x3FD2] =	sst s25  }
0xa7: {  	s6 =	sshll.u32 s26, $0x1;
	_ =	strace $0x80000046;
	[dreg:$0x1] =	wrdreg $0xFFFFFFFF  }
0xa8: {  	s28 =	simm.s32 $_size_execute0_lowered;
	s4 =	sadd.s32 s4, s6;
	[dreg:$0x0] =	wrdreg $0x0  }
0xa9: {  	s6 =	sshll.u32 s28, $0x1;
	[dreg:$0x2] =	wrdreg s4  }
0xaa: {  	[dreg:$0x3] =	wrdreg s6  }
0xab: {  	[dreg:$0x4] =	wrdreg $0xC0  }
0xac: {  	_ =	task [dreg:s8], $0x5FFFF  }
0xad: {  	[dreg:$0x1] =	wrdreg $0xFFFFFFFF  }
0xae: {  	[dreg:$0x0] =	wrdreg $0x60  }
0xaf: {  	[dreg:$0x2] =	wrdreg s2  }
0xb0: {  	[dreg:$0x3] =	wrdreg s24  }
0xb1: {  	[dreg:$0x4] =	wrdreg s18  }
0xb2: {  	[dreg:$0x5] =	wrdreg $0x0  }
0xb3: {  	[dreg:$0x6] =	wrdreg $0x9  }
0xb4: {  	_ =	task.clear_ibuf [dreg:s8], $0x7FFFF;
	_ =	strace $0x90000046  }
0xb5: {  	s29 =	simm.s32 $0x9;
	_ =	strace $0x80000048  }
0xb6: {  	_ =	swait.ge [sflag:s29], $0x1  }
0xb7: {  	[sflag:s29] =	ssyncadd.s32 $0xFFFFFFFF  }
0xb8: {  	_ =	strace $0x90000048  }
0xb9: {  	_ =	sfence  }
0xba: {  	s30 =	sld [smem:$0x0];
	_ =	sdelay $0x2  }
0xbb: {  	s31 =	sshll.u32 s1, $0xD;
	s1 =	sshrl.u32 s1, $0x2  }
0xbc: {  	s3 =	sand.u32 $0x4000, s31;
	s1 =	sadd.s32 s1, s30  }
0xbd: {  	s0 =	sor.u32 s3, s0;
	s1 =	sshll.u32 s1, $0x11  }
0xbe: {  	s0 =	sor.u32 s1, s0  }
0xbf: {  	s0 =	sadd.s32 $0x8F2B, s0  }
0xc0: {  	[sflag:s0] =	ssyncadd.remote.s32 $0x1  }
0xc1: {  	_ =	sfence.sel $0xFFFF  }
0xc2: {  	[dreg:$0x0] =	wrdreg $0xFFFFFFFF;
	(pc) =	sbr.abs _section_cstart, $3  }
0xc3: {  	[dreg:$0x1] =	wrdreg $0xFFFFFFFF  }
0xc4: {  	_ =	task.clear_ibuf [dreg:s8], $0x2FFFF;
	_ =	strace $0x9FFFFFFF  }
0xc5: {  	(tm) =	ssettm $0x7FFFFFFF  }
tec
execute0_lowered:
.L_overlay_start_1:
0x0: {  	(tag) =	ssettag $0x1  }
0x1: {  	s0 =	rddreg [dreg:$0x1]  }
0x2: {  	s1 =	rddreg [dreg:$0x2]  }
0x3: {  	s2 =	rddreg [dreg:$0x3];
	s4 =	srdreg.scid  }
0x4: {  	s5 =	stileid.u32;
	s3 =	simm.s32 $0x0;
	s29 =	simm.s32 $0x8  }
0x5: {  	s30 =	simm.s32 $0x9F40;
	s13 =	simm.s32 $0x5;
	s14 =	simm.s32 $0x6  }
0x6: {  	s28 =	simm.s32 $0x19FC0;
	s6 =	sand.u32 $0x1, s4;
	s18 =	smul.u32 $0x640, s5  }
0x7: {  	s16 =	sshll.u32 s5, $0x1;
	[smem:$0x7FF] =	sst s3;
	s24 =	smul.u32 $0x32000, s5  }
0x8: {  	s4 =	sadd.s32 $0x400, s0;
	s7 =	sor.u32 s6, s16;
	s21 =	smul.u32 $0x320, s6  }
0x9: {  	p0 =	sne.s32 s5, $0x0;
	s5 =	simm.s32 $0x0;
	s9 =	smul.u32 $0x190000, s7  }
0xa: {  	_ =	strace $0x80000047;
	s17 =	ssub.s32 $0x2, s6;
	s8 =	smul.u32 $0x3200, s7  }
0xb: {  	s10 =	sshrl.u32 s17, $0x1;
	s7 =	smul.u32 $0xC80000, s7;
	s20 =	sadd.s32 s1, s9  }
0xc: {  	s0 =	ssub.s32 s17, s10;
	s11 =	sadd.s32 s4, s8;
	[dreg:$0x8] =	wrdreg s20  }
0xd: {  	s6 =	smul.u32 $0x19000, s6;
	s0 =	smax.u32 s0, $0x1;
	[dreg:$0x5] =	wrdreg s11  }
0xe: {  	s7 =	sshrl.u32 s7, $0x3;
	s8 =	sadd.s32 $0x20, s11;
	[dreg:$0xe] =	wrdreg s0  }
0xf: {  	s9 =	simm.s32 $0x5F40;
	s19 =	sadd.s32 $0x40, s11;
	[dreg:$0x6] =	wrdreg s8  }
0x10: {  	s12 =	sadd.s32 $0x60, s11;
	s10 =	sadd.s32 $0x1000, s20;
	[dreg:$0x7] =	wrdreg s19  }
0x11: {  	s22 =	sadd.s32 $0x80, s11;
	s7 =	sadd.s32 s1, s7;
	[dreg:$0x9] =	wrdreg s12  }
0x12: {  	s0 =	sshrl.u32 @!p0 s2, $0x3;
	s20 =	simm.s32 $0x19F40;
	[dreg:$0xa] =	wrdreg s10  }
0x13: {  	s11 =	simm.s32 $0x2;
	[dreg:$0xb] =	wrdreg s22;
	s8 =	sadd.s32 s21, s18  }
0x14: {  	s23 =	sadd.s32 $0x18E000, s7;
	s7 =	sadd.s32 $0x18F000, s7;
	s18 =	sadd.s32 s6, s24  }
0x15: {  	[dreg:$0x12] =	wrdreg s0;
	s21 =	simm.s32 $0x1A040;
	s22 =	simm.s32 $0x1A140  }
0x16: {  	s24 =	simm.s32 $0x80;
	s6 =	simm.s32 $0x9;
	s10 =	simm.s32 $0x15F40  }
0x17: {  	s12 =	simm.s32 $0x3;
	[dreg:$0xc] =	wrdreg s23;
	s8 =	sshll.u32 s8, $0xB  }
.Ltmp0:
0x18: {  	[dreg:$0xd] =	wrdreg s7;
	s1 =	sadd.s32 s8, s1;
	(pc) =	sbr.rel .LBB2_1-.Ltmp0, $4  }
0x19: {  	s23 =	simm.s32 $0x7;
	s7 =	simm.s32 $0x11F40;
	s25 =	sadd.s32 $0x3000, s1  }
0x1a: {  	s8 =	simm.s32 $0x4;
	s26 =	sadd.s32 $0x4000, s1;
	[dreg:$0xf] =	wrdreg s25  }
0x1b: {  	s31 =	sadd.s32 $0x2000, s1;
	s1 =	simm.s32 $0x1;
	[dreg:$0x10] =	wrdreg s26  }
0x1c: {  	[dreg:$0x11] =	wrdreg s31;
	s25 =	simm.s32 $0x1F40;
	s26 =	simm.s32 $0xDF40  }
.LBB2_4:
0x1d: {  	_ =	swait.ge [sflag:s12], $0x4000  }
0x1e: {  	[sflag:s12] =	ssyncset.done $0x0  }
0x1f: {  	[sflag:s12] =	ssyncadd.s32 $0xFFFFC000  }
0x20: {  	_ =	swait.ge [sflag:s12], $0x4000  }
0x21: {  	[sflag:s12] =	ssyncset.done $0x0  }
0x22: {  	s0 =	rddreg [dreg:$0xc];
	[sflag:s12] =	ssyncadd.s32 $0xFFFFC000  }
0x23: {  	[hbm4b:s0+s3] =	stream.linear.scatter [tilespmem:s7], [sflag:$0x6], $0x8000, $0x38;
	[tilespmem:$0x1A240] =	vst v63  }
0x24: {  	_ =	swait.ge [sflag:s13], $0x8000  }
0x25: {  	[sflag:s13] =	ssyncset.done $0x0  }
0x26: {  	[sflag:s13] =	ssyncadd.s32 $0xFFFF8000  }
0x27: {  	_ =	swait.ge [sflag:s1], $0x4000  }
0x28: {  	[sflag:s1] =	ssyncset.done $0x0  }
0x29: {  	[sflag:s1] =	ssyncadd.s32 $0xFFFFC000  }
0x2a: {  	_ =	swait.ge [sflag:s1], $0x4000  }
0x2b: {  	[sflag:s1] =	ssyncset.done $0x0  }
0x2c: {  	s19 =	rddreg [dreg:$0xd];
	[sflag:s1] =	ssyncadd.s32 $0xFFFFC000  }
0x2d: {  	[hbm4b:s19+s3] =	stream.linear.scatter [tilespmem:s25], [sflag:$0x4], $0x8000, $0x38;
	[tilespmem:$0x1A240] =	vst v63  }
0x2e: {  	_ =	swait.ge [sflag:s14], $0x8000  }
0x2f: {  	[sflag:s14] =	ssyncset.done $0x0  }
0x30: {  	[sflag:s14] =	ssyncadd.s32 $0xFFFF8000  }
0x31: {  	_ =	swait.ge [sflag:s8], $0x8000  }
0x32: {  	s5 =	rddreg [dreg:$0x13]  }
0x33: {  	s31 =	rddreg [dreg:$0xe];
	s5 =	sadd.s32 $0x1, s5  }
0x34: {  	p1 =	sne.s32 s5, s31  }
.Ltmp1:
0x35: {  	_ = 	snop;
	(pc) =	sbr.rel @!p1 .LBB2_5-.Ltmp1, $3  }
0x36: {  	_ =	sdelay $0x1  }
0x37: {  	[sflag:s8] =	ssyncset.done $0x0  }
0x38: {  	[sflag:s8] =	ssyncadd.s32 $0xFFFF8000  }
.LBB2_1:
0x39: {  	[dreg:$0x13] =	wrdreg s5  }
0x3a: {  	s0 =	rddreg [dreg:$0x0]  }
0x3b: {  	s5 =	simm.s32 @!p0 $0x1C0A;
	s15 =	rddreg [dreg:$0x12]  }
0x3c: {  	[spmem:s15], [sflag:s5] =	dma.local @!p0 [hbm:s0], $0x3E80  }
0x3d: {  	s5 =	simm.s32 @!p0 $0xA  }
0x3e: {  	_ =	swait.ge @!p0 [sflag:s5], $0x3E80  }
0x3f: {  	[sflag:s5] =	ssyncset.done @!p0 $0x0  }
0x40: {  	[sflag:s5] =	ssyncadd.s32 @!p0 $0xFFFFC180  }
0x41: {  	[bflag:$0x0] =	sbarrier.arrive $0xFFFF  }
0x42: {  	s5 =	rddreg [dreg:$0x5]  }
0x43: {  	[tilespmem:s20], [sflag:$0x7] =	stream.linear.gather [hbm4b:s5+s3], $0x100, $0x38;
	[tilespmem:$0x1A240] =	vst v63  }
0x44: {  	s15 =	rddreg [dreg:$0x6]  }
0x45: {  	[tilespmem:s21], [sflag:$0x8] =	stream.linear.gather [hbm4b:s15+s3], $0x100, $0x38;
	[tilespmem:$0x1A240] =	vst v63  }
0x46: {  	s16 =	rddreg [dreg:$0x7]  }
0x47: {  	[tilespmem:s22], [sflag:$0x9] =	stream.linear.gather [hbm4b:s16+s3], $0x100, $0x38;
	[tilespmem:$0x1A240] =	vst v63  }
0x48: {  	_ =	swait.ge [sflag:s23], $0x100  }
0x49: {  	[sflag:s23] =	ssyncset.done $0x0  }
0x4a: {  	[sflag:s23] =	ssyncadd.s32 $0xFFFFFF00  }
0x4b: {  	[tilespmem:s25], [sflag:$0x1] =	stream.indirect.gather [spmem:s2], $0x80, s20, s24, $0xb8;
	[tilespmem:$0x1A240] =	vst v63  }
0x4c: {  	s15 =	simm.s32 $0x19FC0;
	s16 =	simm.s32 $0x5F40  }
0x4d: {  	[tilespmem:s16], [sflag:$0x1] =	stream.indirect.gather [spmem:s2], $0x80, s15, s24, $0xb8;
	[tilespmem:$0x1A240] =	vst v63  }
0x4e: {  	_ =	swait.ge [sflag:s29], $0x100  }
0x4f: {  	[sflag:s29] =	ssyncset.done $0x0  }
0x50: {  	[sflag:s29] =	ssyncadd.s32 $0xFFFFFF00  }
0x51: {  	[tilespmem:s30], [sflag:$0x2] =	stream.indirect.gather [spmem:s2], $0x80, s21, s24, $0xb8;
	[tilespmem:$0x1A240] =	vst v63  }
0x52: {  	s17 =	simm.s32 $0x1A0C0;
	s19 =	simm.s32 $0xDF40  }
0x53: {  	[tilespmem:s19], [sflag:$0x2] =	stream.indirect.gather [spmem:s2], $0x80, s17, s24, $0xb8;
	[tilespmem:$0x1A240] =	vst v63  }
0x54: {  	_ =	swait.ge [sflag:s1], $0x4000  }
0x55: {  	[sflag:s1] =	ssyncset.done $0x0  }
0x56: {  	[sflag:s1] =	ssyncadd.s32 $0xFFFFC000  }
0x57: {  	_ =	swait.ge [sflag:s1], $0x4000  }
0x58: {  	[sflag:s1] =	ssyncset.done $0x0  }
0x59: {  	s31 =	rddreg [dreg:$0x8];
	[sflag:s1] =	ssyncadd.s32 $0xFFFFC000  }
0x5a: {  	[hbm4b:s31+s3] =	stream.linear.scatter [tilespmem:s25], [sflag:$0x4], $0x8000, $0x38;
	[tilespmem:$0x1A240] =	vst v63  }
0x5b: {  	_ =	swait.ge [sflag:s6], $0x100  }
0x5c: {  	[sflag:s6] =	ssyncset.done $0x0  }
0x5d: {  	[sflag:s6] =	ssyncadd.s32 $0xFFFFFF00  }
0x5e: {  	[tilespmem:s7], [sflag:$0x3] =	stream.indirect.gather [spmem:s2], $0x80, s22, s24, $0xb8;
	[tilespmem:$0x1A240] =	vst v63  }
0x5f: {  	s5 =	simm.s32 $0x1A1C0  }
0x60: {  	[tilespmem:s10], [sflag:$0x3] =	stream.indirect.gather [spmem:s2], $0x80, s5, s24, $0xb8;
	[tilespmem:$0x1A240] =	vst v63  }
0x61: {  	s17 =	rddreg [dreg:$0x9]  }
0x62: {  	[tilespmem:s20], [sflag:$0x7] =	stream.linear.gather [hbm4b:s17+s3], $0x100, $0x38;
	[tilespmem:$0x1A240] =	vst v63  }
0x63: {  	_ =	swait.ge [sflag:s11], $0x4000  }
0x64: {  	[sflag:s11] =	ssyncset.done $0x0  }
0x65: {  	[sflag:s11] =	ssyncadd.s32 $0xFFFFC000  }
0x66: {  	_ =	swait.ge [sflag:s11], $0x4000  }
0x67: {  	[sflag:s11] =	ssyncset.done $0x0  }
0x68: {  	s19 =	rddreg [dreg:$0xa];
	[sflag:s11] =	ssyncadd.s32 $0xFFFFC000  }
0x69: {  	[hbm4b:s19+s3] =	stream.linear.scatter [tilespmem:s30], [sflag:$0x5], $0x8000, $0x38;
	[tilespmem:$0x1A240] =	vst v63  }
0x6a: {  	_ =	swait.ge [sflag:s8], $0x8000  }
0x6b: {  	[sflag:s8] =	ssyncset.done $0x0  }
0x6c: {  	[sflag:s8] =	ssyncadd.s32 $0xFFFF8000  }
0x6d: {  	_ =	swait.ge [sflag:s23], $0x100  }
0x6e: {  	[sflag:s23] =	ssyncset.done $0x0;
	s31 =	rddreg [dreg:$0xb]  }
0x6f: {  	s17 =	rddreg [dreg:$0x11];
	[sflag:s23] =	ssyncadd.s32 $0xFFFFFF00  }
0x70: {  	[tilespmem:s25], [sflag:$0x1] =	stream.indirect.gather [spmem:s2], $0x80, s20, s24, $0xb8;
	[tilespmem:$0x1A240] =	vst v63  }
0x71: {  	s5 =	rddreg [dreg:$0x10]  }
0x72: {  	[tilespmem:s16], [sflag:$0x1] =	stream.indirect.gather [spmem:s2], $0x80, s15, s24, $0xb8;
	[tilespmem:$0x1A240] =	vst v63  }
0x73: {  	s19 =	rddreg [dreg:$0xf];
	s16 =	simm.s32 $0x0  }
0x74: {  	[tilespmem:s21], [sflag:$0x8] =	stream.linear.gather [hbm4b:s31+s3], $0x100, $0x38;
	[tilespmem:$0x1A240] =	vst v63  }
.LBB2_2:
0x75: {  	_ =	swait.ge [sflag:s12], $0x4000  }
0x76: {  	[sflag:s12] =	ssyncset.done $0x0  }
0x77: {  	[sflag:s12] =	ssyncadd.s32 $0xFFFFC000  }
0x78: {  	_ =	swait.ge [sflag:s12], $0x4000  }
0x79: {  	[sflag:s12] =	ssyncset.done $0x0  }
0x7a: {  	[sflag:s12] =	ssyncadd.s32 $0xFFFFC000  }
0x7b: {  	[hbm4b:s17+s3] =	stream.linear.scatter [tilespmem:s7], [sflag:$0x6], $0x8000, $0x38;
	[tilespmem:$0x1A240] =	vst v63  }
0x7c: {  	_ =	swait.ge [sflag:s13], $0x8000  }
0x7d: {  	[sflag:s13] =	ssyncset.done $0x0  }
0x7e: {  	s15 =	sadd.s32 s16, s18;
	[sflag:s13] =	ssyncadd.s32 $0xFFFF8000  }
0x7f: {  	s31 =	sadd.s32 $0x500, s16;
	s0 =	sadd.s32 $0x500, s15;
	_ =	swait.ge [sflag:s29], $0x100  }
0x80: {  	s31 =	sand.u32 $0x300, s31;
	s0 =	sand.u32 $0x7FFC00, s0;
	[sflag:s29] =	ssyncset.done $0x0  }
0x81: {  	s0 =	sor.u32 s31, s0;
	[sflag:s29] =	ssyncadd.s32 $0xFFFFFF00  }
0x82: {  	[tilespmem:s30], [sflag:$0x2] =	stream.indirect.gather [spmem:s2], $0x80, s21, s24, $0xb8;
	[tilespmem:$0x1A240] =	vst v63  }
0x83: {  	s31 =	simm.s32 $0x1A0C0;
	s0 =	sshrl.u32 s0, $0x3  }
0x84: {  	[tilespmem:s26], [sflag:$0x2] =	stream.indirect.gather [spmem:s2], $0x80, s31, s24, $0xb8;
	[tilespmem:$0x1A240] =	vst v63  }
0x85: {  	s0 =	sadd.s32 s4, s0  }
0x86: {  	[tilespmem:s22], [sflag:$0x9] =	stream.linear.gather [hbm4b:s0+s3], $0x100, $0x38;
	[tilespmem:$0x1A240] =	vst v63  }
0x87: {  	_ =	swait.ge [sflag:s1], $0x4000  }
0x88: {  	[sflag:s1] =	ssyncset.done $0x0  }
0x89: {  	[sflag:s1] =	ssyncadd.s32 $0xFFFFC000  }
0x8a: {  	_ =	swait.ge [sflag:s1], $0x4000  }
0x8b: {  	[sflag:s1] =	ssyncset.done $0x0  }
0x8c: {  	[sflag:s1] =	ssyncadd.s32 $0xFFFFC000  }
0x8d: {  	[hbm4b:s19+s3] =	stream.linear.scatter [tilespmem:s25], [sflag:$0x4], $0x8000, $0x38;
	[tilespmem:$0x1A240] =	vst v63  }
0x8e: {  	_ =	swait.ge [sflag:s14], $0x8000  }
0x8f: {  	[sflag:s14] =	ssyncset.done $0x0  }
0x90: {  	[sflag:s14] =	ssyncadd.s32 $0xFFFF8000  }
0x91: {  	s15 =	sadd.s32 $0x600, s15;
	s31 =	sadd.s32 $0x600, s16;
	_ =	swait.ge [sflag:s6], $0x100  }
0x92: {  	s15 =	sand.u32 $0x7FFC00, s15;
	s0 =	sand.u32 $0x300, s31;
	[sflag:s6] =	ssyncset.done $0x0  }
0x93: {  	s0 =	sor.u32 s0, s15;
	[sflag:s6] =	ssyncadd.s32 $0xFFFFFF00  }
0x94: {  	[tilespmem:s7], [sflag:$0x3] =	stream.indirect.gather [spmem:s2], $0x80, s22, s24, $0xb8;
	[tilespmem:$0x1A240] =	vst v63  }
0x95: {  	s31 =	simm.s32 $0x1A1C0;
	s0 =	sshrl.u32 s0, $0x3  }
0x96: {  	[tilespmem:s10], [sflag:$0x3] =	stream.indirect.gather [spmem:s2], $0x80, s31, s24, $0xb8;
	[tilespmem:$0x1A240] =	vst v63  }
0x97: {  	s0 =	sadd.s32 s4, s0  }
0x98: {  	[tilespmem:s20], [sflag:$0x7] =	stream.linear.gather [hbm4b:s0+s3], $0x100, $0x38;
	[tilespmem:$0x1A240] =	vst v63  }
0x99: {  	_ =	swait.ge [sflag:s11], $0x4000  }
0x9a: {  	[sflag:s11] =	ssyncset.done $0x0  }
0x9b: {  	[sflag:s11] =	ssyncadd.s32 $0xFFFFC000  }
0x9c: {  	_ =	swait.ge [sflag:s11], $0x4000  }
0x9d: {  	[sflag:s11] =	ssyncset.done $0x0  }
0x9e: {  	[sflag:s11] =	ssyncadd.s32 $0xFFFFC000  }
0x9f: {  	[hbm4b:s5+s3] =	stream.linear.scatter [tilespmem:s30], [sflag:$0x5], $0x8000, $0x38;
	[tilespmem:$0x1A240] =	vst v63  }
0xa0: {  	_ =	swait.ge [sflag:s8], $0x8000  }
0xa1: {  	[sflag:s8] =	ssyncset.done $0x0  }
0xa2: {  	[sflag:s8] =	ssyncadd.s32 $0xFFFF8000  }
0xa3: {  	p1 =	seq.s32 s16, $0x18900;
	_ =	swait.ge [sflag:s23], $0x100  }
.Ltmp2:
0xa4: {  	[sflag:s23] =	ssyncset.done $0x0;
	(pc) =	sbr.rel @p1 .LBB2_4-.Ltmp2, $4  }
0xa5: {  	[sflag:s23] =	ssyncadd.s32 $0xFFFFFF00  }
0xa6: {  	[tilespmem:s25], [sflag:$0x1] =	stream.indirect.gather [spmem:s2], $0x80, s20, s24, $0xb8;
	[tilespmem:$0x1A240] =	vst v63  }
0xa7: {  	_ = 	snop  }
0xa8: {  	[tilespmem:s9], [sflag:$0x1] =	stream.indirect.gather [spmem:s2], $0x80, s28, s24, $0xb8;
	[tilespmem:$0x1A240] =	vst v63  }
0xa9: {  	s0 =	sadd.s32 $0x700, s16  }
0xaa: {  	s15 =	sadd.s32 s18, s0  }
.Ltmp3:
0xab: {  	s0 =	sand.u32 $0x300, s0;
	s15 =	sand.u32 $0x7FFC00, s15;
	(pc) =	sbr.rel .LBB2_2-.Ltmp3, $4  }
0xac: {  	s0 =	sor.u32 s0, s15  }
0xad: {  	s19 =	sadd.s32 $0x3000, s19;
	s5 =	sadd.s32 $0x3000, s5;
	s0 =	sshrl.u32 s0, $0x3  }
0xae: {  	s17 =	sadd.s32 $0x3000, s17;
	s16 =	sadd.s32 $0x300, s16;
	s0 =	sadd.s32 s4, s0  }
0xaf: {  	[tilespmem:s21], [sflag:$0x8] =	stream.linear.gather [hbm4b:s0+s3], $0x100, $0x38;
	[tilespmem:$0x1A240] =	vst v63  }
.LBB2_5:
0xb0: {  	_ =	sfence.sel $0x180000  }
0xb1: {  	[bflag:$0x0] =	sbarrier.arrive $0xFFFF  }
0xb2: {  	_ =	strace $0x90000047  }
0xb3: {  	[bflag:$0x2] =	sbarrier.arrive $0xFFFF  }
0xb4: {  	s0 =	rddreg [dreg:$0x4]  }
0xb5: {  	s0 =	sadd.s32 @!p0 $0x100000, s0  }
0xb6: {  	[sflag:s0] =	ssyncadd.tile.s32 @!p0 $0x1;
	_ =	shalt  }
.Lfunc_end2:
_tile_overlayer_lowered:
.L_overlay_start_2:
0xb7: {  	(tag) =	ssettag $0x2  }
0xb8: {  	s0 =	rddreg [dreg:$0x0];
	s2 =	stileid.u32  }
0xb9: {  	s1 =	rddreg [dreg:$0x1];
	p0 =	sne.s32 s2, $0x0  }
0xba: {  	s3 =	rddreg [dreg:$0x2];
	[bflag:$0x3] =	sbarrier.arrive $0xFFFF;
	s2 =	simm.s32 @!p0 $0x1C0A  }
0xbb: {  	[timem:s3], [sflag:s2] =	dma.local @!p0 [hbm:s0], s1  }
0xbc: {  	s0 =	simm.s32 @!p0 $0xA  }
0xbd: {  	_ =	swait.ge @!p0 [sflag:s0], s1  }
0xbe: {  	s1 =	ssub.s32 @!p0 $0x0, s1;
	[sflag:s0] =	ssyncset.done @!p0 $0x0  }
0xbf: {  	[sflag:s0] =	ssyncadd.s32 @!p0 s1  }
0xc0: {  	[bflag:$0x3] =	sbarrier.arrive $0xFFFF  }
0xc1: {  	_ =	shalt  }

</sc_bundles>
